<compile_context>
chip_gen: v7x
topology: tpu7x:2x2x1
jax: 0.10.2.dev20260603
libtpu: 0.0.44.dev20260713+nightly
codegen_flags: <defaults>
</compile_context>

<pallas_src>
import functools

import jax
import jax.numpy as jnp
from jax import lax
from jax.experimental import pallas as pl
from jax.experimental.pallas import tpu as pltpu, tpu_sc as plsc

N = 50000
E = 800000
D = 128
H = 64
HH = 32
L = 4
G = 64
T = 1

NC = 2
NS = 16
CH = 128
RC = 6400
E_PAD = RC * CH
NP = 50048
FR = RC // NS
DR = RC // (NC * NS)
NPT = NP // NS
GF = 100
NB = 6
M = 12
DPT = 2 * NP // NS
DW = 8

R = 2176
GRID = NP // R



def _deg_body(dsrc_hbm, ddst_hbm, ones_hbm, zeros_hbm, out_hbm,
              sidx_v, didx_v, ones_v, dacc, sem):
    c = lax.axis_index("c")
    s = lax.axis_index("s")
    w = c * NS + s
    pltpu.sync_copy(dsrc_hbm.at[pl.ds(w * DR, DR)], sidx_v)
    pltpu.sync_copy(ddst_hbm.at[pl.ds(w * DR, DR)], didx_v)
    pltpu.sync_copy(ones_hbm, ones_v)
    pltpu.sync_copy(zeros_hbm, dacc.at[pl.ds(s * DPT, DPT)])
    plsc.subcore_barrier()

    def body(j, carry):
        pltpu.async_copy(ones_v, dacc.at[sidx_v.at[j, 0]], sem, add=True)
        pltpu.async_copy(ones_v, dacc.at[didx_v.at[j, 0]], sem, add=True)

        @pl.when(j >= DW)
        def _():
            pltpu.make_async_copy(ones_v, dacc.at[sidx_v.at[j, 0]], sem).wait()
            pltpu.make_async_copy(ones_v, dacc.at[didx_v.at[j, 0]], sem).wait()

        return carry

    lax.fori_loop(0, DR, body, 0)
    for _ in range(DW):
        pltpu.make_async_copy(ones_v, dacc.at[sidx_v.at[0, 0]], sem).wait()
        pltpu.make_async_copy(ones_v, dacc.at[didx_v.at[0, 0]], sem).wait()
    plsc.subcore_barrier()
    pltpu.sync_copy(dacc.at[pl.ds(s * DPT, DPT)],
                    out_hbm.at[c, pl.ds(s * DPT, DPT)])


def _edge_body(table_hbm, gsrc_hbm, gdst_hbm, zeros_hbm, out_hbm,
               sidx_v, didx_v, rows_v, acc, gsem, ssem):
    c = lax.axis_index("c")
    s = lax.axis_index("s")
    pltpu.sync_copy(zeros_hbm, acc.at[pl.ds(s * NPT, NPT)])
    plsc.subcore_barrier()

    def group(g, carry):
        base = s * FR + g * GF
        pltpu.sync_copy(gsrc_hbm.at[c, pl.ds(base, GF)], sidx_v)
        pltpu.sync_copy(gdst_hbm.at[pl.ds(base, GF)], didx_v)
        for b in range(NB):
            pltpu.async_copy(table_hbm.at[sidx_v.at[b, 0]], rows_v.at[b],
                             gsem.at[b])

        def chunk(j, carry2):
            b = lax.rem(j, M)
            pltpu.make_async_copy(table_hbm.at[sidx_v.at[j, 0]],
                                  rows_v.at[b], gsem.at[b]).wait()
            pltpu.async_copy(rows_v.at[b], acc.at[didx_v.at[j, 0]],
                             ssem.at[b], add=True)
            k = lax.rem(j + NB, M)

            @pl.when(j >= NB)
            def _():
                pltpu.make_async_copy(rows_v.at[k], acc.at[didx_v.at[j, 0]],
                                      ssem.at[k]).wait()

            @pl.when(j + NB < GF)
            def _():
                pltpu.async_copy(table_hbm.at[sidx_v.at[j + NB, 0]],
                                 rows_v.at[k], gsem.at[k])

            return carry2

        lax.fori_loop(0, GF, chunk, 0)
        for i in range(NB):
            b2 = (GF - NB + i) % M
            pltpu.make_async_copy(rows_v.at[b2], acc.at[didx_v.at[0, 0]],
                                  ssem.at[b2]).wait()
        return carry

    lax.fori_loop(0, FR // GF, group, 0)
    plsc.subcore_barrier()
    pltpu.sync_copy(acc.at[pl.ds(s * NPT, NPT)],
                    out_hbm.at[c, pl.ds(s * NPT, NPT)])


@functools.lru_cache(maxsize=None)
def _sc_kernels():
    mesh = plsc.VectorSubcoreMesh(core_axis_name="c", subcore_axis_name="s")
    params = pltpu.CompilerParams(
        use_tc_tiling_on_sc=False,
        has_side_effects=pltpu.SideEffectType.SIDE_EFFECTING,
    )
    deg = pl.kernel(
        _deg_body, mesh=mesh, compiler_params=params,
        out_type=jax.ShapeDtypeStruct((NC, 2 * NP), jnp.float32),
        scratch_types=[
            pltpu.VMEM((DR, 1, CH), jnp.int32),
            pltpu.VMEM((DR, 1, CH), jnp.int32),
            pltpu.VMEM((CH,), jnp.float32),
            pltpu.VMEM_SHARED((2 * NP,), jnp.float32),
            pltpu.SemaphoreType.DMA,
        ],
    )
    edge = pl.kernel(
        _edge_body, mesh=mesh, compiler_params=params,
        out_type=jax.ShapeDtypeStruct((NC, NP, HH), jnp.bfloat16),
        scratch_types=[
            pltpu.VMEM((GF, 1, CH), jnp.int32),
            pltpu.VMEM((GF, 1, CH), jnp.int32),
            pltpu.VMEM((M, CH, HH), jnp.bfloat16),
            pltpu.VMEM_SHARED((NP, HH), jnp.bfloat16),
            pltpu.SemaphoreType.DMA((M,)),
            pltpu.SemaphoreType.DMA((M,)),
        ],
    )
    return deg, edge



def _norms(degs):
    dsum = degs[0] + degs[1]
    dout = dsum[:, 0:1]
    din = dsum[:, 1:2]
    ns = lax.rsqrt(jnp.where(dout > 0, dout, 1.0))
    nd = lax.rsqrt(jnp.where(din > 0, din, 1.0))
    return ns, nd


def _embed_body(nf_ref, w_ref, b_ref, degs_ref, out_ref):
    ns, _ = _norms(degs_ref[...])
    h = jnp.dot(nf_ref[...], w_ref[...],
                preferred_element_type=jnp.float32) + b_ref[...]
    hs = h * ns
    out_ref[...] = jnp.stack([hs[:, :HH], hs[:, HH:]]).astype(jnp.bfloat16)


def _layer_body(agg_ref, degs_ref, w_ref, b_ref, out_ref):
    a = agg_ref[...].astype(jnp.float32)
    x = jnp.concatenate([a[0], a[1]], axis=1)
    ns, nd = _norms(degs_ref[...])
    h = jnp.maximum(
        jnp.dot(x * nd, w_ref[...],
                preferred_element_type=jnp.float32) + b_ref[...], 0.0)
    hs = h * ns
    out_ref[...] = jnp.stack([hs[:, :HH], hs[:, HH:]]).astype(jnp.bfloat16)


def _final_body(agg_ref, degs_ref, w_ref, b_ref, gid_ref,
                wl0_ref, bl0_ref, wl1_ref, bl1_ref, out_ref, acc_ref):
    i = pl.program_id(0)
    a = agg_ref[...].astype(jnp.float32)
    x = jnp.concatenate([a[0], a[1]], axis=1)
    _, nd = _norms(degs_ref[...])
    h = jnp.maximum(
        jnp.dot(x * nd, w_ref[...],
                preferred_element_type=jnp.float32) + b_ref[...], 0.0)
    gids = gid_ref[0, 0]
    onehot = (gids[:, None] ==
              lax.broadcasted_iota(jnp.int32, (R, G), 1)).astype(jnp.float32)
    contrib = lax.dot_general(onehot, h, (((0,), (0,)), ((), ())),
                              preferred_element_type=jnp.float32)

    @pl.when(i == 0)
    def _():
        acc_ref[...] = contrib

    @pl.when(i > 0)
    def _():
        acc_ref[...] += contrib

    @pl.when(i == GRID - 1)
    def _():
        pooled = acc_ref[...]
        hg = jnp.maximum(
            jnp.dot(pooled, wl0_ref[...],
                    preferred_element_type=jnp.float32) + bl0_ref[...], 0.0)
        out_ref[...] = jnp.dot(hg, wl1_ref[...],
                               preferred_element_type=jnp.float32) + bl1_ref[...]


_full = lambda shp: pl.BlockSpec(shp, lambda i: tuple(0 for _ in shp))

_embed_call = pl.pallas_call(
    _embed_body,
    grid=(GRID,),
    in_specs=[
        pl.BlockSpec((R, D), lambda i: (i, 0)),
        _full((D, H)),
        _full((1, H)),
        pl.BlockSpec((NC, R, 2), lambda i: (0, i, 0)),
    ],
    out_specs=pl.BlockSpec((NC, R, HH), lambda i: (0, i, 0)),
    out_shape=jax.ShapeDtypeStruct((NC, NP, HH), jnp.bfloat16),
)

_layer_call = pl.pallas_call(
    _layer_body,
    grid=(GRID,),
    in_specs=[
        pl.BlockSpec((NC, R, HH), lambda i: (0, i, 0)),
        pl.BlockSpec((NC, R, 2), lambda i: (0, i, 0)),
        _full((H, H)),
        _full((1, H)),
    ],
    out_specs=pl.BlockSpec((NC, R, HH), lambda i: (0, i, 0)),
    out_shape=jax.ShapeDtypeStruct((NC, NP, HH), jnp.bfloat16),
)

_final_call = pl.pallas_call(
    _final_body,
    grid=(GRID,),
    in_specs=[
        pl.BlockSpec((NC, R, HH), lambda i: (0, i, 0)),
        pl.BlockSpec((NC, R, 2), lambda i: (0, i, 0)),
        _full((H, H)),
        _full((1, H)),
        pl.BlockSpec((1, 1, R), lambda i: (i, 0, 0)),
        _full((H, H)),
        _full((1, H)),
        _full((H, T)),
        _full((1, T)),
    ],
    out_specs=_full((G, T)),
    out_shape=jax.ShapeDtypeStruct((G, T), jnp.float32),
    scratch_shapes=[pltpu.VMEM((G, H), jnp.float32)],
)



def kernel(node_feats, edge_index, node_graph_ids,
           W_emb, b_emb, Wg, bg, Wl0, bl0, Wl1, bl1):
    src = edge_index[0]
    dst = edge_index[1]
    pad = E_PAD - E
    spread = jnp.arange(pad, dtype=jnp.int32)
    pad_src = spread % N
    pad_trash = N + spread % (NP - N)
    pad_dtrash = 2 * N + spread % (2 * NP - 2 * N)

    src_p = jnp.concatenate([src, pad_src])
    gsrc = jnp.stack([src_p, NP + src_p]).reshape(NC, RC, 1, CH)
    gdst = jnp.concatenate([dst, pad_trash]).reshape(RC, 1, CH)
    dsrc = jnp.concatenate([2 * src, pad_dtrash]).reshape(RC, 1, CH)
    ddst = jnp.concatenate([2 * dst + 1, pad_dtrash]).reshape(RC, 1, CH)

    ones1 = jnp.ones((CH,), jnp.float32)
    z1 = jnp.zeros((DPT,), jnp.float32)
    z32 = jnp.zeros((NPT, HH), jnp.bfloat16)

    _deg_kernel, _edge_kernel = _sc_kernels()
    degs = _deg_kernel(dsrc, ddst, ones1, z1)
    degs = degs.reshape(NC, NP, 2)

    nf_p = jnp.pad(node_feats, ((0, NP - N), (0, 0)))
    hs = _embed_call(nf_p, W_emb, b_emb.reshape(1, H), degs).reshape(NC * NP, HH)

    def step(carry, wb):
        hs_c, _ = carry
        w, b = wb
        agg_c = _edge_kernel(hs_c, gsrc, gdst, z32)
        hs_n = _layer_call(agg_c, degs, w, b).reshape(NC * NP, HH)
        return (hs_n, agg_c), None

    agg0 = jnp.zeros((NC, NP, HH), jnp.bfloat16)
    (_, agg), _ = lax.scan(step, (hs, agg0), (Wg, bg.reshape(L, 1, H)))
    gids3 = jnp.concatenate(
        [node_graph_ids, jnp.full((NP - N,), G, jnp.int32)]).reshape(GRID, 1, R)
    out = _final_call(agg, degs, Wg[L - 1], bg[L - 1].reshape(1, H), gids3,
                      Wl0, bl0.reshape(1, H), Wl1, bl1.reshape(1, T))
    return out

# --- scband reference (transcript-rebuilt; emitter-appended) ---
"""Pipeline reference for scband-network-712964571382 (READ-ONLY COPY).

The authoritative reference and input builder live on the scoring server;
editing this copy changes nothing except your own understanding.
"""

import jax, jax.numpy as jnp
import numpy as np

N = 50000
E = 800000
D = 128
H = 64
L = 4
G = 64
T = 1


def setup_inputs(seed: int = 0) -> dict:
    key = jax.random.key(seed)
    ks = jax.random.split(key, 8)
    node_feats = jax.random.normal(ks[0], (N, D), dtype=jnp.float32)
    edge_index = jax.random.randint(ks[1], (2, E), 0, N, dtype=jnp.int32)
    node_graph_ids = jnp.sort(jax.random.randint(ks[2], (N,), 0, G, dtype=jnp.int32))
    W_emb = jax.random.normal(ks[3], (D, H), dtype=jnp.float32) / jnp.sqrt(D)
    b_emb = jnp.zeros((H,), dtype=jnp.float32)
    Wg = jax.random.normal(ks[4], (L, H, H), dtype=jnp.float32) / jnp.sqrt(H)
    bg = jnp.zeros((L, H), dtype=jnp.float32)
    Wl0 = jax.random.normal(ks[5], (H, H), dtype=jnp.float32) / jnp.sqrt(H)
    bl0 = jnp.zeros((H,), dtype=jnp.float32)
    Wl1 = jax.random.normal(ks[6], (H, T), dtype=jnp.float32) / jnp.sqrt(H)
    bl1 = jnp.zeros((T,), dtype=jnp.float32)
    return {
        "node_feats": node_feats,
        "edge_index": edge_index,
        "node_graph_ids": node_graph_ids,
        "W_emb": W_emb,
        "b_emb": b_emb,
        "Wg": Wg,
        "bg": bg,
        "Wl0": Wl0,
        "bl0": bl0,
        "Wl1": Wl1,
        "bl1": bl1,
    }


def reference(node_feats, edge_index, node_graph_ids, W_emb, b_emb, Wg, bg, Wl0, bl0, Wl1, bl1):
    src = edge_index[0]
    dst = edge_index[1]
    # node embedding (Linear)
    h = node_feats @ W_emb + b_emb
    # symmetric GCN normalization (DGL GraphConv norm='both')
    ones = jnp.ones((src.shape[0],), dtype=h.dtype)
    deg_out = jax.ops.segment_sum(ones, src, num_segments=N)
    deg_in = jax.ops.segment_sum(ones, dst, num_segments=N)
    norm_src = jnp.where(deg_out > 0, deg_out, 1.0) ** -0.5
    norm_dst = jnp.where(deg_in > 0, deg_in, 1.0) ** -0.5
    for i in range(L):
        m = (h * norm_src[:, None])[src]          # gather over edges
        agg = jax.ops.segment_sum(m, dst, num_segments=N)  # scatter-add
        h = jax.nn.relu((agg * norm_dst[:, None]) @ Wg[i] + bg[i])
    # SumPooling over nodes of each graph
    pooled = jax.ops.segment_sum(h, node_graph_ids, num_segments=G)
    # Linears: hidden -> hidden (ReLU) -> target_dim
    hg = jax.nn.relu(pooled @ Wl0 + bl0)
    out = hg @ Wl1 + bl1
    return out

if __name__ == "__main__":
    import jax
    _d = setup_inputs()
    print(jax.jit(kernel)(*tuple(_d.values())))

</pallas_src>

<mosaic_0001>
#map = affine_map<(d0, d1) -> (0, 0)>
#map1 = affine_map<(d0, d1) -> (0, 0, 0, 0)>
#map2 = affine_map<(d0, d1) -> (0, 0, 0)>
module attributes {stable_mosaic.version = 14 : i64} {
  func.func @_edge_body(%arg0: i32, %arg1: i32, %arg2: memref<100096x32xbf16, #tpu.memory_space<hbm>>, %arg3: memref<2x6400x1x128xi32, #tpu.memory_space<hbm>>, %arg4: memref<6400x1x128xi32, #tpu.memory_space<hbm>>, %arg5: memref<3128x32xbf16, #tpu.memory_space<hbm>>, %arg6: memref<2x50048x32xbf16, #tpu.memory_space<hbm>>, %arg7: memref<100x1x128xi32, #tpu.memory_space<vmem>>, %arg8: memref<100x1x128xi32, #tpu.memory_space<vmem>>, %arg9: memref<12x128x32xbf16, #tpu.memory_space<vmem>>, %arg10: memref<50048x32xbf16, #tpu.memory_space<vmem_shared>>, %arg11: memref<12x!tpu.dma_semaphore, #tpu.memory_space<semaphore_mem>>, %arg12: memref<12x!tpu.dma_semaphore, #tpu.memory_space<semaphore_mem>>) attributes {dimension_semantics = [#tpu.dimension_semantics<core_parallel>, #tpu.dimension_semantics<subcore_parallel>], iteration_bounds = array<i64: 2, 16>, scalar_prefetch = 0 : i64, scratch_operands = 6 : i64, tpu.core_type = #tpu.core_type<sc_vector_subcore>, window_params = [{transform_indices = #map}, {transform_indices = #map1}, {transform_indices = #map2}, {transform_indices = #map}, {transform_indices = #map2}]} {
    %mul3A = arith.constant 3128 : i32
    %mul3A_0 = arith.muli %arg1, %mul3A : i32
    "tpu.region"() ({
      %run_scoped3A = tpu.sem_alloc : memref<!tpu.dma_semaphore, #tpu.memory_space<semaphore_mem>>
      %dma_start3A = arith.constant 0 : i32
      %dma_start3A_11 = tpu.memref_slice %arg10[%mul3A_0, %dma_start3A] : memref<50048x32xbf16, #tpu.memory_space<vmem_shared>> -> memref<3128x32xbf16, #tpu.memory_space<vmem_shared>>
      tpu.enqueue_dma source(%arg5 : memref<3128x32xbf16, #tpu.memory_space<hbm>>) target(%dma_start3A_11 : memref<3128x32xbf16, #tpu.memory_space<vmem_shared>>) target_semaphore(%run_scoped3A : memref<!tpu.dma_semaphore, #tpu.memory_space<semaphore_mem>>)
      %dma_wait3A = arith.constant 0 : i32
      %dma_wait3A_12 = tpu.memref_slice %arg10[%mul3A_0, %dma_wait3A] : memref<50048x32xbf16, #tpu.memory_space<vmem_shared>> -> memref<3128x32xbf16, #tpu.memory_space<vmem_shared>>
      tpu.wait_dma2 semaphore(%run_scoped3A : memref<!tpu.dma_semaphore, #tpu.memory_space<semaphore_mem>>) src(%arg5 : memref<3128x32xbf16, #tpu.memory_space<hbm>>) dst(%dma_wait3A_12 : memref<3128x32xbf16, #tpu.memory_space<vmem_shared>>)
      tpu.yield
    }) : () -> ()
    %barrier3A = arith.constant 0 : index
    tpu.barrier barrier_id(%barrier3A)
    %scan3A = arith.constant 0 : i32
    %scan3A_1 = arith.constant 0 : i32
    %scan3A_2 = arith.constant 4 : i32
    %scan3A_3 = arith.addi %scan3A_1, %scan3A_2 : i32
    %scan3A_4 = arith.constant 1 : i32
    scf.for %scan3A_11 = %scan3A_1 to %scan3A_3 step %scan3A_4  : i32 {
      %mul3A_12 = arith.constant 400 : i32
      %mul3A_13 = arith.muli %arg1, %mul3A_12 : i32
      %mul3A_14 = arith.constant 100 : i32
      %mul3A_15 = arith.muli %scan3A_11, %mul3A_14 : i32
      %add3A = arith.addi %mul3A_13, %mul3A_15 : i32
      "tpu.region"() ({
        %run_scoped3A = tpu.sem_alloc : memref<!tpu.dma_semaphore, #tpu.memory_space<semaphore_mem>>
        %dma_start3A_212 = arith.constant 0 : i32
        %dma_start3A_213 = arith.constant 0 : i32
        %dma_start3A_214 = tpu.memref_slice %arg3[%arg0, %add3A, %dma_start3A_212, %dma_start3A_213] : memref<2x6400x1x128xi32, #tpu.memory_space<hbm>> -> memref<1x100x1x128xi32, #tpu.memory_space<hbm>>
        %dma_start3A_215 = tpu.memref_squeeze %dma_start3A_214 : memref<1x100x1x128xi32, #tpu.memory_space<hbm>> -> memref<100x1x128xi32, #tpu.memory_space<hbm>>
        %dma_start3A_216 = arith.constant 0 : i32
        %dma_start3A_217 = arith.constant 0 : i32
        %dma_start3A_218 = tpu.memref_slice %arg3[%arg0, %add3A, %dma_start3A_216, %dma_start3A_217] : memref<2x6400x1x128xi32, #tpu.memory_space<hbm>> -> memref<1x100x1x128xi32, #tpu.memory_space<hbm>>
        %dma_start3A_219 = tpu.memref_squeeze %dma_start3A_218 : memref<1x100x1x128xi32, #tpu.memory_space<hbm>> -> memref<100x1x128xi32, #tpu.memory_space<hbm>>
        tpu.enqueue_dma source(%dma_start3A_219 : memref<100x1x128xi32, #tpu.memory_space<hbm>>) target(%arg7 : memref<100x1x128xi32, #tpu.memory_space<vmem>>) target_semaphore(%run_scoped3A : memref<!tpu.dma_semaphore, #tpu.memory_space<semaphore_mem>>)
        %dma_wait3A_220 = arith.constant 0 : i32
        %dma_wait3A_221 = arith.constant 0 : i32
        %dma_wait3A_222 = tpu.memref_slice %arg3[%arg0, %add3A, %dma_wait3A_220, %dma_wait3A_221] : memref<2x6400x1x128xi32, #tpu.memory_space<hbm>> -> memref<1x100x1x128xi32, #tpu.memory_space<hbm>>
        %dma_wait3A_223 = tpu.memref_squeeze %dma_wait3A_222 : memref<1x100x1x128xi32, #tpu.memory_space<hbm>> -> memref<100x1x128xi32, #tpu.memory_space<hbm>>
        %dma_wait3A_224 = arith.constant 0 : i32
        %dma_wait3A_225 = arith.constant 0 : i32
        %dma_wait3A_226 = tpu.memref_slice %arg3[%arg0, %add3A, %dma_wait3A_224, %dma_wait3A_225] : memref<2x6400x1x128xi32, #tpu.memory_space<hbm>> -> memref<1x100x1x128xi32, #tpu.memory_space<hbm>>
        %dma_wait3A_227 = tpu.memref_squeeze %dma_wait3A_226 : memref<1x100x1x128xi32, #tpu.memory_space<hbm>> -> memref<100x1x128xi32, #tpu.memory_space<hbm>>
        tpu.wait_dma2 semaphore(%run_scoped3A : memref<!tpu.dma_semaphore, #tpu.memory_space<semaphore_mem>>) src(%dma_wait3A_227 : memref<100x1x128xi32, #tpu.memory_space<hbm>>) dst(%arg7 : memref<100x1x128xi32, #tpu.memory_space<vmem>>)
        tpu.yield
      }) : () -> ()
      "tpu.region"() ({
        %run_scoped3A = tpu.sem_alloc : memref<!tpu.dma_semaphore, #tpu.memory_space<semaphore_mem>>
        %dma_start3A_212 = arith.constant 0 : i32
        %dma_start3A_213 = arith.constant 0 : i32
        %dma_start3A_214 = tpu.memref_slice %arg4[%add3A, %dma_start3A_212, %dma_start3A_213] : memref<6400x1x128xi32, #tpu.memory_space<hbm>> -> memref<100x1x128xi32, #tpu.memory_space<hbm>>
        %dma_start3A_215 = arith.constant 0 : i32
        %dma_start3A_216 = arith.constant 0 : i32
        %dma_start3A_217 = tpu.memref_slice %arg4[%add3A, %dma_start3A_215, %dma_start3A_216] : memref<6400x1x128xi32, #tpu.memory_space<hbm>> -> memref<100x1x128xi32, #tpu.memory_space<hbm>>
        tpu.enqueue_dma source(%dma_start3A_217 : memref<100x1x128xi32, #tpu.memory_space<hbm>>) target(%arg8 : memref<100x1x128xi32, #tpu.memory_space<vmem>>) target_semaphore(%run_scoped3A : memref<!tpu.dma_semaphore, #tpu.memory_space<semaphore_mem>>)
        %dma_wait3A_218 = arith.constant 0 : i32
        %dma_wait3A_219 = arith.constant 0 : i32
        %dma_wait3A_220 = tpu.memref_slice %arg4[%add3A, %dma_wait3A_218, %dma_wait3A_219] : memref<6400x1x128xi32, #tpu.memory_space<hbm>> -> memref<100x1x128xi32, #tpu.memory_space<hbm>>
        %dma_wait3A_221 = arith.constant 0 : i32
        %dma_wait3A_222 = arith.constant 0 : i32
        %dma_wait3A_223 = tpu.memref_slice %arg4[%add3A, %dma_wait3A_221, %dma_wait3A_222] : memref<6400x1x128xi32, #tpu.memory_space<hbm>> -> memref<100x1x128xi32, #tpu.memory_space<hbm>>
        tpu.wait_dma2 semaphore(%run_scoped3A : memref<!tpu.dma_semaphore, #tpu.memory_space<semaphore_mem>>) src(%dma_wait3A_223 : memref<100x1x128xi32, #tpu.memory_space<hbm>>) dst(%arg8 : memref<100x1x128xi32, #tpu.memory_space<vmem>>)
        tpu.yield
      }) : () -> ()
      %dma_start3A = arith.constant 0 : i32
      %dma_start3A_16 = arith.constant 0 : i32
      %dma_start3A_17 = arith.constant 0 : i32
      %dma_start3A_18 = arith.constant 0 : i32
      %dma_start3A_19 = arith.constant 0 : i32
      %dma_start3A_20 = arith.constant 0 : i32
      %dma_start3A_21 = tpu.memref_slice %arg9[%dma_start3A_17, %dma_start3A_19, %dma_start3A_20] : memref<12x128x32xbf16, #tpu.memory_space<vmem>> -> memref<1x128x32xbf16, #tpu.memory_space<vmem>>
      %dma_start3A_22 = tpu.memref_squeeze %dma_start3A_21 : memref<1x128x32xbf16, #tpu.memory_space<vmem>> -> memref<128x32xbf16, #tpu.memory_space<vmem>>
      %dma_start3A_23 = arith.constant 0 : i32
      %dma_start3A_24 = tpu.memref_slice %arg7[%dma_start3A, %dma_start3A_16, %dma_start3A_23] : memref<100x1x128xi32, #tpu.memory_space<vmem>> -> memref<1x1x128xi32, #tpu.memory_space<vmem>>
      %dma_start3A_25 = tpu.memref_squeeze %dma_start3A_24 : memref<1x1x128xi32, #tpu.memory_space<vmem>> -> memref<128xi32, #tpu.memory_space<vmem>>
      %dma_start3A_26 = arith.constant 0 : i32
      %dma_start3A_27 = arith.constant 0 : i32
      %dma_start3A_28 = tpu.memref_slice %arg2[%dma_start3A_26, %dma_start3A_27] : memref<100096x32xbf16, #tpu.memory_space<hbm>> -> memref<100096x32xbf16, #tpu.memory_space<hbm>>
      %dma_start3A_29 = tpu.memref_slice %arg11[%dma_start3A_18] : memref<12x!tpu.dma_semaphore, #tpu.memory_space<semaphore_mem>> -> memref<1x!tpu.dma_semaphore, #tpu.memory_space<semaphore_mem>>
      %dma_start3A_30 = tpu.memref_squeeze %dma_start3A_29 : memref<1x!tpu.dma_semaphore, #tpu.memory_space<semaphore_mem>> -> memref<!tpu.dma_semaphore, #tpu.memory_space<semaphore_mem>>
      tpu.enqueue_indirect_dma source(%dma_start3A_28 : memref<100096x32xbf16, #tpu.memory_space<hbm>>) target(%dma_start3A_22 : memref<128x32xbf16, #tpu.memory_space<vmem>>) offsets(%dma_start3A_25 : memref<128xi32, #tpu.memory_space<vmem>>) semaphore(%dma_start3A_30 : memref<!tpu.dma_semaphore, #tpu.memory_space<semaphore_mem>>)
      %dma_start3A_31 = arith.constant 1 : i32
      %dma_start3A_32 = arith.constant 0 : i32
      %dma_start3A_33 = arith.constant 1 : i32
      %dma_start3A_34 = arith.constant 1 : i32
      %dma_start3A_35 = arith.constant 0 : i32
      %dma_start3A_36 = arith.constant 0 : i32
      %dma_start3A_37 = tpu.memref_slice %arg9[%dma_start3A_33, %dma_start3A_35, %dma_start3A_36] : memref<12x128x32xbf16, #tpu.memory_space<vmem>> -> memref<1x128x32xbf16, #tpu.memory_space<vmem>>
      %dma_start3A_38 = tpu.memref_squeeze %dma_start3A_37 : memref<1x128x32xbf16, #tpu.memory_space<vmem>> -> memref<128x32xbf16, #tpu.memory_space<vmem>>
      %dma_start3A_39 = arith.constant 0 : i32
      %dma_start3A_40 = tpu.memref_slice %arg7[%dma_start3A_31, %dma_start3A_32, %dma_start3A_39] : memref<100x1x128xi32, #tpu.memory_space<vmem>> -> memref<1x1x128xi32, #tpu.memory_space<vmem>>
      %dma_start3A_41 = tpu.memref_squeeze %dma_start3A_40 : memref<1x1x128xi32, #tpu.memory_space<vmem>> -> memref<128xi32, #tpu.memory_space<vmem>>
      %dma_start3A_42 = arith.constant 0 : i32
      %dma_start3A_43 = arith.constant 0 : i32
      %dma_start3A_44 = tpu.memref_slice %arg2[%dma_start3A_42, %dma_start3A_43] : memref<100096x32xbf16, #tpu.memory_space<hbm>> -> memref<100096x32xbf16, #tpu.memory_space<hbm>>
      %dma_start3A_45 = tpu.memref_slice %arg11[%dma_start3A_34] : memref<12x!tpu.dma_semaphore, #tpu.memory_space<semaphore_mem>> -> memref<1x!tpu.dma_semaphore, #tpu.memory_space<semaphore_mem>>
      %dma_start3A_46 = tpu.memref_squeeze %dma_start3A_45 : memref<1x!tpu.dma_semaphore, #tpu.memory_space<semaphore_mem>> -> memref<!tpu.dma_semaphore, #tpu.memory_space<semaphore_mem>>
      tpu.enqueue_indirect_dma source(%dma_start3A_44 : memref<100096x32xbf16, #tpu.memory_space<hbm>>) target(%dma_start3A_38 : memref<128x32xbf16, #tpu.memory_space<vmem>>) offsets(%dma_start3A_41 : memref<128xi32, #tpu.memory_space<vmem>>) semaphore(%dma_start3A_46 : memref<!tpu.dma_semaphore, #tpu.memory_space<semaphore_mem>>)
      %dma_start3A_47 = arith.constant 2 : i32
      %dma_start3A_48 = arith.constant 0 : i32
      %dma_start3A_49 = arith.constant 2 : i32
      %dma_start3A_50 = arith.constant 2 : i32
      %dma_start3A_51 = arith.constant 0 : i32
      %dma_start3A_52 = arith.constant 0 : i32
      %dma_start3A_53 = tpu.memref_slice %arg9[%dma_start3A_49, %dma_start3A_51, %dma_start3A_52] : memref<12x128x32xbf16, #tpu.memory_space<vmem>> -> memref<1x128x32xbf16, #tpu.memory_space<vmem>>
      %dma_start3A_54 = tpu.memref_squeeze %dma_start3A_53 : memref<1x128x32xbf16, #tpu.memory_space<vmem>> -> memref<128x32xbf16, #tpu.memory_space<vmem>>
      %dma_start3A_55 = arith.constant 0 : i32
      %dma_start3A_56 = tpu.memref_slice %arg7[%dma_start3A_47, %dma_start3A_48, %dma_start3A_55] : memref<100x1x128xi32, #tpu.memory_space<vmem>> -> memref<1x1x128xi32, #tpu.memory_space<vmem>>
      %dma_start3A_57 = tpu.memref_squeeze %dma_start3A_56 : memref<1x1x128xi32, #tpu.memory_space<vmem>> -> memref<128xi32, #tpu.memory_space<vmem>>
      %dma_start3A_58 = arith.constant 0 : i32
      %dma_start3A_59 = arith.constant 0 : i32
      %dma_start3A_60 = tpu.memref_slice %arg2[%dma_start3A_58, %dma_start3A_59] : memref<100096x32xbf16, #tpu.memory_space<hbm>> -> memref<100096x32xbf16, #tpu.memory_space<hbm>>
      %dma_start3A_61 = tpu.memref_slice %arg11[%dma_start3A_50] : memref<12x!tpu.dma_semaphore, #tpu.memory_space<semaphore_mem>> -> memref<1x!tpu.dma_semaphore, #tpu.memory_space<semaphore_mem>>
      %dma_start3A_62 = tpu.memref_squeeze %dma_start3A_61 : memref<1x!tpu.dma_semaphore, #tpu.memory_space<semaphore_mem>> -> memref<!tpu.dma_semaphore, #tpu.memory_space<semaphore_mem>>
      tpu.enqueue_indirect_dma source(%dma_start3A_60 : memref<100096x32xbf16, #tpu.memory_space<hbm>>) target(%dma_start3A_54 : memref<128x32xbf16, #tpu.memory_space<vmem>>) offsets(%dma_start3A_57 : memref<128xi32, #tpu.memory_space<vmem>>) semaphore(%dma_start3A_62 : memref<!tpu.dma_semaphore, #tpu.memory_space<semaphore_mem>>)
      %dma_start3A_63 = arith.constant 3 : i32
      %dma_start3A_64 = arith.constant 0 : i32
      %dma_start3A_65 = arith.constant 3 : i32
      %dma_start3A_66 = arith.constant 3 : i32
      %dma_start3A_67 = arith.constant 0 : i32
      %dma_start3A_68 = arith.constant 0 : i32
      %dma_start3A_69 = tpu.memref_slice %arg9[%dma_start3A_65, %dma_start3A_67, %dma_start3A_68] : memref<12x128x32xbf16, #tpu.memory_space<vmem>> -> memref<1x128x32xbf16, #tpu.memory_space<vmem>>
      %dma_start3A_70 = tpu.memref_squeeze %dma_start3A_69 : memref<1x128x32xbf16, #tpu.memory_space<vmem>> -> memref<128x32xbf16, #tpu.memory_space<vmem>>
      %dma_start3A_71 = arith.constant 0 : i32
      %dma_start3A_72 = tpu.memref_slice %arg7[%dma_start3A_63, %dma_start3A_64, %dma_start3A_71] : memref<100x1x128xi32, #tpu.memory_space<vmem>> -> memref<1x1x128xi32, #tpu.memory_space<vmem>>
      %dma_start3A_73 = tpu.memref_squeeze %dma_start3A_72 : memref<1x1x128xi32, #tpu.memory_space<vmem>> -> memref<128xi32, #tpu.memory_space<vmem>>
      %dma_start3A_74 = arith.constant 0 : i32
      %dma_start3A_75 = arith.constant 0 : i32
      %dma_start3A_76 = tpu.memref_slice %arg2[%dma_start3A_74, %dma_start3A_75] : memref<100096x32xbf16, #tpu.memory_space<hbm>> -> memref<100096x32xbf16, #tpu.memory_space<hbm>>
      %dma_start3A_77 = tpu.memref_slice %arg11[%dma_start3A_66] : memref<12x!tpu.dma_semaphore, #tpu.memory_space<semaphore_mem>> -> memref<1x!tpu.dma_semaphore, #tpu.memory_space<semaphore_mem>>
      %dma_start3A_78 = tpu.memref_squeeze %dma_start3A_77 : memref<1x!tpu.dma_semaphore, #tpu.memory_space<semaphore_mem>> -> memref<!tpu.dma_semaphore, #tpu.memory_space<semaphore_mem>>
      tpu.enqueue_indirect_dma source(%dma_start3A_76 : memref<100096x32xbf16, #tpu.memory_space<hbm>>) target(%dma_start3A_70 : memref<128x32xbf16, #tpu.memory_space<vmem>>) offsets(%dma_start3A_73 : memref<128xi32, #tpu.memory_space<vmem>>) semaphore(%dma_start3A_78 : memref<!tpu.dma_semaphore, #tpu.memory_space<semaphore_mem>>)
      %dma_start3A_79 = arith.constant 4 : i32
      %dma_start3A_80 = arith.constant 0 : i32
      %dma_start3A_81 = arith.constant 4 : i32
      %dma_start3A_82 = arith.constant 4 : i32
      %dma_start3A_83 = arith.constant 0 : i32
      %dma_start3A_84 = arith.constant 0 : i32
      %dma_start3A_85 = tpu.memref_slice %arg9[%dma_start3A_81, %dma_start3A_83, %dma_start3A_84] : memref<12x128x32xbf16, #tpu.memory_space<vmem>> -> memref<1x128x32xbf16, #tpu.memory_space<vmem>>
      %dma_start3A_86 = tpu.memref_squeeze %dma_start3A_85 : memref<1x128x32xbf16, #tpu.memory_space<vmem>> -> memref<128x32xbf16, #tpu.memory_space<vmem>>
      %dma_start3A_87 = arith.constant 0 : i32
      %dma_start3A_88 = tpu.memref_slice %arg7[%dma_start3A_79, %dma_start3A_80, %dma_start3A_87] : memref<100x1x128xi32, #tpu.memory_space<vmem>> -> memref<1x1x128xi32, #tpu.memory_space<vmem>>
      %dma_start3A_89 = tpu.memref_squeeze %dma_start3A_88 : memref<1x1x128xi32, #tpu.memory_space<vmem>> -> memref<128xi32, #tpu.memory_space<vmem>>
      %dma_start3A_90 = arith.constant 0 : i32
      %dma_start3A_91 = arith.constant 0 : i32
      %dma_start3A_92 = tpu.memref_slice %arg2[%dma_start3A_90, %dma_start3A_91] : memref<100096x32xbf16, #tpu.memory_space<hbm>> -> memref<100096x32xbf16, #tpu.memory_space<hbm>>
      %dma_start3A_93 = tpu.memref_slice %arg11[%dma_start3A_82] : memref<12x!tpu.dma_semaphore, #tpu.memory_space<semaphore_mem>> -> memref<1x!tpu.dma_semaphore, #tpu.memory_space<semaphore_mem>>
      %dma_start3A_94 = tpu.memref_squeeze %dma_start3A_93 : memref<1x!tpu.dma_semaphore, #tpu.memory_space<semaphore_mem>> -> memref<!tpu.dma_semaphore, #tpu.memory_space<semaphore_mem>>
      tpu.enqueue_indirect_dma source(%dma_start3A_92 : memref<100096x32xbf16, #tpu.memory_space<hbm>>) target(%dma_start3A_86 : memref<128x32xbf16, #tpu.memory_space<vmem>>) offsets(%dma_start3A_89 : memref<128xi32, #tpu.memory_space<vmem>>) semaphore(%dma_start3A_94 : memref<!tpu.dma_semaphore, #tpu.memory_space<semaphore_mem>>)
      %dma_start3A_95 = arith.constant 5 : i32
      %dma_start3A_96 = arith.constant 0 : i32
      %dma_start3A_97 = arith.constant 5 : i32
      %dma_start3A_98 = arith.constant 5 : i32
      %dma_start3A_99 = arith.constant 0 : i32
      %dma_start3A_100 = arith.constant 0 : i32
      %dma_start3A_101 = tpu.memref_slice %arg9[%dma_start3A_97, %dma_start3A_99, %dma_start3A_100] : memref<12x128x32xbf16, #tpu.memory_space<vmem>> -> memref<1x128x32xbf16, #tpu.memory_space<vmem>>
      %dma_start3A_102 = tpu.memref_squeeze %dma_start3A_101 : memref<1x128x32xbf16, #tpu.memory_space<vmem>> -> memref<128x32xbf16, #tpu.memory_space<vmem>>
      %dma_start3A_103 = arith.constant 0 : i32
      %dma_start3A_104 = tpu.memref_slice %arg7[%dma_start3A_95, %dma_start3A_96, %dma_start3A_103] : memref<100x1x128xi32, #tpu.memory_space<vmem>> -> memref<1x1x128xi32, #tpu.memory_space<vmem>>
      %dma_start3A_105 = tpu.memref_squeeze %dma_start3A_104 : memref<1x1x128xi32, #tpu.memory_space<vmem>> -> memref<128xi32, #tpu.memory_space<vmem>>
      %dma_start3A_106 = arith.constant 0 : i32
      %dma_start3A_107 = arith.constant 0 : i32
      %dma_start3A_108 = tpu.memref_slice %arg2[%dma_start3A_106, %dma_start3A_107] : memref<100096x32xbf16, #tpu.memory_space<hbm>> -> memref<100096x32xbf16, #tpu.memory_space<hbm>>
      %dma_start3A_109 = tpu.memref_slice %arg11[%dma_start3A_98] : memref<12x!tpu.dma_semaphore, #tpu.memory_space<semaphore_mem>> -> memref<1x!tpu.dma_semaphore, #tpu.memory_space<semaphore_mem>>
      %dma_start3A_110 = tpu.memref_squeeze %dma_start3A_109 : memref<1x!tpu.dma_semaphore, #tpu.memory_space<semaphore_mem>> -> memref<!tpu.dma_semaphore, #tpu.memory_space<semaphore_mem>>
      tpu.enqueue_indirect_dma source(%dma_start3A_108 : memref<100096x32xbf16, #tpu.memory_space<hbm>>) target(%dma_start3A_102 : memref<128x32xbf16, #tpu.memory_space<vmem>>) offsets(%dma_start3A_105 : memref<128xi32, #tpu.memory_space<vmem>>) semaphore(%dma_start3A_110 : memref<!tpu.dma_semaphore, #tpu.memory_space<semaphore_mem>>)
      %scan3A_111 = arith.constant 0 : i32
      %scan3A_112 = arith.constant 0 : i32
      %scan3A_113 = arith.constant 100 : i32
      %scan3A_114 = arith.addi %scan3A_112, %scan3A_113 : i32
      %scan3A_115 = arith.constant 1 : i32
      scf.for %scan3A_212 = %scan3A_112 to %scan3A_114 step %scan3A_115  : i32 {
        %rem3A = arith.constant 12 : i32
        %rem3A_213 = arith.remsi %scan3A_212, %rem3A : i32
        %dma_wait3A_214 = arith.constant 0 : i32
        %dma_wait3A_215 = arith.constant 0 : i32
        %dma_wait3A_216 = arith.constant 0 : i32
        %dma_wait3A_217 = tpu.memref_slice %arg9[%rem3A_213, %dma_wait3A_215, %dma_wait3A_216] : memref<12x128x32xbf16, #tpu.memory_space<vmem>> -> memref<1x128x32xbf16, #tpu.memory_space<vmem>>
        %dma_wait3A_218 = tpu.memref_squeeze %dma_wait3A_217 : memref<1x128x32xbf16, #tpu.memory_space<vmem>> -> memref<128x32xbf16, #tpu.memory_space<vmem>>
        %dma_wait3A_219 = arith.constant 0 : i32
        %dma_wait3A_220 = tpu.memref_slice %arg7[%scan3A_212, %dma_wait3A_214, %dma_wait3A_219] : memref<100x1x128xi32, #tpu.memory_space<vmem>> -> memref<1x1x128xi32, #tpu.memory_space<vmem>>
        %dma_wait3A_221 = tpu.memref_squeeze %dma_wait3A_220 : memref<1x1x128xi32, #tpu.memory_space<vmem>> -> memref<128xi32, #tpu.memory_space<vmem>>
        %dma_wait3A_222 = arith.constant 0 : i32
        %dma_wait3A_223 = arith.constant 0 : i32
        %dma_wait3A_224 = tpu.memref_slice %arg2[%dma_wait3A_222, %dma_wait3A_223] : memref<100096x32xbf16, #tpu.memory_space<hbm>> -> memref<100096x32xbf16, #tpu.memory_space<hbm>>
        %dma_wait3A_225 = tpu.memref_slice %arg11[%rem3A_213] : memref<12x!tpu.dma_semaphore, #tpu.memory_space<semaphore_mem>> -> memref<1x!tpu.dma_semaphore, #tpu.memory_space<semaphore_mem>>
        %dma_wait3A_226 = tpu.memref_squeeze %dma_wait3A_225 : memref<1x!tpu.dma_semaphore, #tpu.memory_space<semaphore_mem>> -> memref<!tpu.dma_semaphore, #tpu.memory_space<semaphore_mem>>
        tpu.wait_indirect_dma semaphore(%dma_wait3A_226 : memref<!tpu.dma_semaphore, #tpu.memory_space<semaphore_mem>>) src(%dma_wait3A_224 : memref<100096x32xbf16, #tpu.memory_space<hbm>>) dst(%dma_wait3A_218 : memref<128x32xbf16, #tpu.memory_space<vmem>>)
        %dma_start3A_227 = arith.constant 0 : i32
        %dma_start3A_228 = arith.constant 0 : i32
        %dma_start3A_229 = arith.constant 0 : i32
        %dma_start3A_230 = tpu.memref_slice %arg9[%rem3A_213, %dma_start3A_228, %dma_start3A_229] : memref<12x128x32xbf16, #tpu.memory_space<vmem>> -> memref<1x128x32xbf16, #tpu.memory_space<vmem>>
        %dma_start3A_231 = tpu.memref_squeeze %dma_start3A_230 : memref<1x128x32xbf16, #tpu.memory_space<vmem>> -> memref<128x32xbf16, #tpu.memory_space<vmem>>
        %dma_start3A_232 = arith.constant 0 : i32
        %dma_start3A_233 = tpu.memref_slice %arg8[%scan3A_212, %dma_start3A_227, %dma_start3A_232] : memref<100x1x128xi32, #tpu.memory_space<vmem>> -> memref<1x1x128xi32, #tpu.memory_space<vmem>>
        %dma_start3A_234 = tpu.memref_squeeze %dma_start3A_233 : memref<1x1x128xi32, #tpu.memory_space<vmem>> -> memref<128xi32, #tpu.memory_space<vmem>>
        %dma_start3A_235 = arith.constant 0 : i32
        %dma_start3A_236 = arith.constant 0 : i32
        %dma_start3A_237 = tpu.memref_slice %arg10[%dma_start3A_235, %dma_start3A_236] : memref<50048x32xbf16, #tpu.memory_space<vmem_shared>> -> memref<50048x32xbf16, #tpu.memory_space<vmem_shared>>
        %dma_start3A_238 = tpu.memref_slice %arg12[%rem3A_213] : memref<12x!tpu.dma_semaphore, #tpu.memory_space<semaphore_mem>> -> memref<1x!tpu.dma_semaphore, #tpu.memory_space<semaphore_mem>>
        %dma_start3A_239 = tpu.memref_squeeze %dma_start3A_238 : memref<1x!tpu.dma_semaphore, #tpu.memory_space<semaphore_mem>> -> memref<!tpu.dma_semaphore, #tpu.memory_space<semaphore_mem>>
        tpu.enqueue_indirect_dma source(%dma_start3A_231 : memref<128x32xbf16, #tpu.memory_space<vmem>>) target(%dma_start3A_237 : memref<50048x32xbf16, #tpu.memory_space<vmem_shared>>) offsets(%dma_start3A_234 : memref<128xi32, #tpu.memory_space<vmem>>) semaphore(%dma_start3A_239 : memref<!tpu.dma_semaphore, #tpu.memory_space<semaphore_mem>>) {add = true}
        %add3A_240 = arith.constant 6 : i32
        %add3A_241 = arith.addi %scan3A_212, %add3A_240 : i32
        %rem3A_242 = arith.constant 12 : i32
        %rem3A_243 = arith.remsi %add3A_241, %rem3A_242 : i32
        %ge3A = arith.constant 6 : i32
        %ge3A_244 = arith.cmpi sge, %scan3A_212, %ge3A : i32
        %convert_element_type3A = arith.extui %ge3A_244 : i1 to i32
        %cond3A = arith.constant 0 : i32
        %cond3A_245 = arith.cmpi ne, %convert_element_type3A, %cond3A : i32
        scf.if %cond3A_245 {
          %dma_wait3A_252 = arith.constant 0 : i32
          %dma_wait3A_253 = arith.constant 0 : i32
          %dma_wait3A_254 = arith.constant 0 : i32
          %dma_wait3A_255 = tpu.memref_slice %arg9[%rem3A_243, %dma_wait3A_253, %dma_wait3A_254] : memref<12x128x32xbf16, #tpu.memory_space<vmem>> -> memref<1x128x32xbf16, #tpu.memory_space<vmem>>
          %dma_wait3A_256 = tpu.memref_squeeze %dma_wait3A_255 : memref<1x128x32xbf16, #tpu.memory_space<vmem>> -> memref<128x32xbf16, #tpu.memory_space<vmem>>
          %dma_wait3A_257 = arith.constant 0 : i32
          %dma_wait3A_258 = tpu.memref_slice %arg8[%scan3A_212, %dma_wait3A_252, %dma_wait3A_257] : memref<100x1x128xi32, #tpu.memory_space<vmem>> -> memref<1x1x128xi32, #tpu.memory_space<vmem>>
          %dma_wait3A_259 = tpu.memref_squeeze %dma_wait3A_258 : memref<1x1x128xi32, #tpu.memory_space<vmem>> -> memref<128xi32, #tpu.memory_space<vmem>>
          %dma_wait3A_260 = arith.constant 0 : i32
          %dma_wait3A_261 = arith.constant 0 : i32
          %dma_wait3A_262 = tpu.memref_slice %arg10[%dma_wait3A_260, %dma_wait3A_261] : memref<50048x32xbf16, #tpu.memory_space<vmem_shared>> -> memref<50048x32xbf16, #tpu.memory_space<vmem_shared>>
          %dma_wait3A_263 = tpu.memref_slice %arg12[%rem3A_243] : memref<12x!tpu.dma_semaphore, #tpu.memory_space<semaphore_mem>> -> memref<1x!tpu.dma_semaphore, #tpu.memory_space<semaphore_mem>>
          %dma_wait3A_264 = tpu.memref_squeeze %dma_wait3A_263 : memref<1x!tpu.dma_semaphore, #tpu.memory_space<semaphore_mem>> -> memref<!tpu.dma_semaphore, #tpu.memory_space<semaphore_mem>>
          tpu.wait_indirect_dma semaphore(%dma_wait3A_264 : memref<!tpu.dma_semaphore, #tpu.memory_space<semaphore_mem>>) src(%dma_wait3A_256 : memref<128x32xbf16, #tpu.memory_space<vmem>>) dst(%dma_wait3A_262 : memref<50048x32xbf16, #tpu.memory_space<vmem_shared>>)
        } else {
        }
        %add3A_246 = arith.constant 6 : i32
        %add3A_247 = arith.addi %scan3A_212, %add3A_246 : i32
        %lt3A = arith.constant 100 : i32
        %lt3A_248 = arith.cmpi slt, %add3A_247, %lt3A : i32
        %convert_element_type3A_249 = arith.extui %lt3A_248 : i1 to i32
        %cond3A_250 = arith.constant 0 : i32
        %cond3A_251 = arith.cmpi ne, %convert_element_type3A_249, %cond3A_250 : i32
        scf.if %cond3A_251 {
          %add3A_252 = arith.constant 6 : i32
          %add3A_253 = arith.addi %scan3A_212, %add3A_252 : i32
          %dma_start3A_254 = arith.constant 0 : i32
          %dma_start3A_255 = arith.constant 0 : i32
          %dma_start3A_256 = arith.constant 0 : i32
          %dma_start3A_257 = tpu.memref_slice %arg9[%rem3A_243, %dma_start3A_255, %dma_start3A_256] : memref<12x128x32xbf16, #tpu.memory_space<vmem>> -> memref<1x128x32xbf16, #tpu.memory_space<vmem>>
          %dma_start3A_258 = tpu.memref_squeeze %dma_start3A_257 : memref<1x128x32xbf16, #tpu.memory_space<vmem>> -> memref<128x32xbf16, #tpu.memory_space<vmem>>
          %dma_start3A_259 = arith.constant 0 : i32
          %dma_start3A_260 = tpu.memref_slice %arg7[%add3A_253, %dma_start3A_254, %dma_start3A_259] : memref<100x1x128xi32, #tpu.memory_space<vmem>> -> memref<1x1x128xi32, #tpu.memory_space<vmem>>
          %dma_start3A_261 = tpu.memref_squeeze %dma_start3A_260 : memref<1x1x128xi32, #tpu.memory_space<vmem>> -> memref<128xi32, #tpu.memory_space<vmem>>
          %dma_start3A_262 = arith.constant 0 : i32
          %dma_start3A_263 = arith.constant 0 : i32
          %dma_start3A_264 = tpu.memref_slice %arg2[%dma_start3A_262, %dma_start3A_263] : memref<100096x32xbf16, #tpu.memory_space<hbm>> -> memref<100096x32xbf16, #tpu.memory_space<hbm>>
          %dma_start3A_265 = tpu.memref_slice %arg11[%rem3A_243] : memref<12x!tpu.dma_semaphore, #tpu.memory_space<semaphore_mem>> -> memref<1x!tpu.dma_semaphore, #tpu.memory_space<semaphore_mem>>
          %dma_start3A_266 = tpu.memref_squeeze %dma_start3A_265 : memref<1x!tpu.dma_semaphore, #tpu.memory_space<semaphore_mem>> -> memref<!tpu.dma_semaphore, #tpu.memory_space<semaphore_mem>>
          tpu.enqueue_indirect_dma source(%dma_start3A_264 : memref<100096x32xbf16, #tpu.memory_space<hbm>>) target(%dma_start3A_258 : memref<128x32xbf16, #tpu.memory_space<vmem>>) offsets(%dma_start3A_261 : memref<128xi32, #tpu.memory_space<vmem>>) semaphore(%dma_start3A_266 : memref<!tpu.dma_semaphore, #tpu.memory_space<semaphore_mem>>)
        } else {
        }
      }
      %scan3A_116 = arith.constant 100 : i32
      %dma_wait3A = arith.constant 10 : i32
      %dma_wait3A_117 = arith.constant 0 : i32
      %dma_wait3A_118 = arith.constant 0 : i32
      %dma_wait3A_119 = arith.constant 10 : i32
      %dma_wait3A_120 = arith.constant 0 : i32
      %dma_wait3A_121 = arith.constant 0 : i32
      %dma_wait3A_122 = tpu.memref_slice %arg9[%dma_wait3A, %dma_wait3A_120, %dma_wait3A_121] : memref<12x128x32xbf16, #tpu.memory_space<vmem>> -> memref<1x128x32xbf16, #tpu.memory_space<vmem>>
      %dma_wait3A_123 = tpu.memref_squeeze %dma_wait3A_122 : memref<1x128x32xbf16, #tpu.memory_space<vmem>> -> memref<128x32xbf16, #tpu.memory_space<vmem>>
      %dma_wait3A_124 = arith.constant 0 : i32
      %dma_wait3A_125 = tpu.memref_slice %arg8[%dma_wait3A_117, %dma_wait3A_118, %dma_wait3A_124] : memref<100x1x128xi32, #tpu.memory_space<vmem>> -> memref<1x1x128xi32, #tpu.memory_space<vmem>>
      %dma_wait3A_126 = tpu.memref_squeeze %dma_wait3A_125 : memref<1x1x128xi32, #tpu.memory_space<vmem>> -> memref<128xi32, #tpu.memory_space<vmem>>
      %dma_wait3A_127 = arith.constant 0 : i32
      %dma_wait3A_128 = arith.constant 0 : i32
      %dma_wait3A_129 = tpu.memref_slice %arg10[%dma_wait3A_127, %dma_wait3A_128] : memref<50048x32xbf16, #tpu.memory_space<vmem_shared>> -> memref<50048x32xbf16, #tpu.memory_space<vmem_shared>>
      %dma_wait3A_130 = tpu.memref_slice %arg12[%dma_wait3A_119] : memref<12x!tpu.dma_semaphore, #tpu.memory_space<semaphore_mem>> -> memref<1x!tpu.dma_semaphore, #tpu.memory_space<semaphore_mem>>
      %dma_wait3A_131 = tpu.memref_squeeze %dma_wait3A_130 : memref<1x!tpu.dma_semaphore, #tpu.memory_space<semaphore_mem>> -> memref<!tpu.dma_semaphore, #tpu.memory_space<semaphore_mem>>
      tpu.wait_indirect_dma semaphore(%dma_wait3A_131 : memref<!tpu.dma_semaphore, #tpu.memory_space<semaphore_mem>>) src(%dma_wait3A_123 : memref<128x32xbf16, #tpu.memory_space<vmem>>) dst(%dma_wait3A_129 : memref<50048x32xbf16, #tpu.memory_space<vmem_shared>>)
      %dma_wait3A_132 = arith.constant 11 : i32
      %dma_wait3A_133 = arith.constant 0 : i32
      %dma_wait3A_134 = arith.constant 0 : i32
      %dma_wait3A_135 = arith.constant 11 : i32
      %dma_wait3A_136 = arith.constant 0 : i32
      %dma_wait3A_137 = arith.constant 0 : i32
      %dma_wait3A_138 = tpu.memref_slice %arg9[%dma_wait3A_132, %dma_wait3A_136, %dma_wait3A_137] : memref<12x128x32xbf16, #tpu.memory_space<vmem>> -> memref<1x128x32xbf16, #tpu.memory_space<vmem>>
      %dma_wait3A_139 = tpu.memref_squeeze %dma_wait3A_138 : memref<1x128x32xbf16, #tpu.memory_space<vmem>> -> memref<128x32xbf16, #tpu.memory_space<vmem>>
      %dma_wait3A_140 = arith.constant 0 : i32
      %dma_wait3A_141 = tpu.memref_slice %arg8[%dma_wait3A_133, %dma_wait3A_134, %dma_wait3A_140] : memref<100x1x128xi32, #tpu.memory_space<vmem>> -> memref<1x1x128xi32, #tpu.memory_space<vmem>>
      %dma_wait3A_142 = tpu.memref_squeeze %dma_wait3A_141 : memref<1x1x128xi32, #tpu.memory_space<vmem>> -> memref<128xi32, #tpu.memory_space<vmem>>
      %dma_wait3A_143 = arith.constant 0 : i32
      %dma_wait3A_144 = arith.constant 0 : i32
      %dma_wait3A_145 = tpu.memref_slice %arg10[%dma_wait3A_143, %dma_wait3A_144] : memref<50048x32xbf16, #tpu.memory_space<vmem_shared>> -> memref<50048x32xbf16, #tpu.memory_space<vmem_shared>>
      %dma_wait3A_146 = tpu.memref_slice %arg12[%dma_wait3A_135] : memref<12x!tpu.dma_semaphore, #tpu.memory_space<semaphore_mem>> -> memref<1x!tpu.dma_semaphore, #tpu.memory_space<semaphore_mem>>
      %dma_wait3A_147 = tpu.memref_squeeze %dma_wait3A_146 : memref<1x!tpu.dma_semaphore, #tpu.memory_space<semaphore_mem>> -> memref<!tpu.dma_semaphore, #tpu.memory_space<semaphore_mem>>
      tpu.wait_indirect_dma semaphore(%dma_wait3A_147 : memref<!tpu.dma_semaphore, #tpu.memory_space<semaphore_mem>>) src(%dma_wait3A_139 : memref<128x32xbf16, #tpu.memory_space<vmem>>) dst(%dma_wait3A_145 : memref<50048x32xbf16, #tpu.memory_space<vmem_shared>>)
      %dma_wait3A_148 = arith.constant 0 : i32
      %dma_wait3A_149 = arith.constant 0 : i32
      %dma_wait3A_150 = arith.constant 0 : i32
      %dma_wait3A_151 = arith.constant 0 : i32
      %dma_wait3A_152 = arith.constant 0 : i32
      %dma_wait3A_153 = arith.constant 0 : i32
      %dma_wait3A_154 = tpu.memref_slice %arg9[%dma_wait3A_148, %dma_wait3A_152, %dma_wait3A_153] : memref<12x128x32xbf16, #tpu.memory_space<vmem>> -> memref<1x128x32xbf16, #tpu.memory_space<vmem>>
      %dma_wait3A_155 = tpu.memref_squeeze %dma_wait3A_154 : memref<1x128x32xbf16, #tpu.memory_space<vmem>> -> memref<128x32xbf16, #tpu.memory_space<vmem>>
      %dma_wait3A_156 = arith.constant 0 : i32
      %dma_wait3A_157 = tpu.memref_slice %arg8[%dma_wait3A_149, %dma_wait3A_150, %dma_wait3A_156] : memref<100x1x128xi32, #tpu.memory_space<vmem>> -> memref<1x1x128xi32, #tpu.memory_space<vmem>>
      %dma_wait3A_158 = tpu.memref_squeeze %dma_wait3A_157 : memref<1x1x128xi32, #tpu.memory_space<vmem>> -> memref<128xi32, #tpu.memory_space<vmem>>
      %dma_wait3A_159 = arith.constant 0 : i32
      %dma_wait3A_160 = arith.constant 0 : i32
      %dma_wait3A_161 = tpu.memref_slice %arg10[%dma_wait3A_159, %dma_wait3A_160] : memref<50048x32xbf16, #tpu.memory_space<vmem_shared>> -> memref<50048x32xbf16, #tpu.memory_space<vmem_shared>>
      %dma_wait3A_162 = tpu.memref_slice %arg12[%dma_wait3A_151] : memref<12x!tpu.dma_semaphore, #tpu.memory_space<semaphore_mem>> -> memref<1x!tpu.dma_semaphore, #tpu.memory_space<semaphore_mem>>
      %dma_wait3A_163 = tpu.memref_squeeze %dma_wait3A_162 : memref<1x!tpu.dma_semaphore, #tpu.memory_space<semaphore_mem>> -> memref<!tpu.dma_semaphore, #tpu.memory_space<semaphore_mem>>
      tpu.wait_indirect_dma semaphore(%dma_wait3A_163 : memref<!tpu.dma_semaphore, #tpu.memory_space<semaphore_mem>>) src(%dma_wait3A_155 : memref<128x32xbf16, #tpu.memory_space<vmem>>) dst(%dma_wait3A_161 : memref<50048x32xbf16, #tpu.memory_space<vmem_shared>>)
      %dma_wait3A_164 = arith.constant 1 : i32
      %dma_wait3A_165 = arith.constant 0 : i32
      %dma_wait3A_166 = arith.constant 0 : i32
      %dma_wait3A_167 = arith.constant 1 : i32
      %dma_wait3A_168 = arith.constant 0 : i32
      %dma_wait3A_169 = arith.constant 0 : i32
      %dma_wait3A_170 = tpu.memref_slice %arg9[%dma_wait3A_164, %dma_wait3A_168, %dma_wait3A_169] : memref<12x128x32xbf16, #tpu.memory_space<vmem>> -> memref<1x128x32xbf16, #tpu.memory_space<vmem>>
      %dma_wait3A_171 = tpu.memref_squeeze %dma_wait3A_170 : memref<1x128x32xbf16, #tpu.memory_space<vmem>> -> memref<128x32xbf16, #tpu.memory_space<vmem>>
      %dma_wait3A_172 = arith.constant 0 : i32
      %dma_wait3A_173 = tpu.memref_slice %arg8[%dma_wait3A_165, %dma_wait3A_166, %dma_wait3A_172] : memref<100x1x128xi32, #tpu.memory_space<vmem>> -> memref<1x1x128xi32, #tpu.memory_space<vmem>>
      %dma_wait3A_174 = tpu.memref_squeeze %dma_wait3A_173 : memref<1x1x128xi32, #tpu.memory_space<vmem>> -> memref<128xi32, #tpu.memory_space<vmem>>
      %dma_wait3A_175 = arith.constant 0 : i32
      %dma_wait3A_176 = arith.constant 0 : i32
      %dma_wait3A_177 = tpu.memref_slice %arg10[%dma_wait3A_175, %dma_wait3A_176] : memref<50048x32xbf16, #tpu.memory_space<vmem_shared>> -> memref<50048x32xbf16, #tpu.memory_space<vmem_shared>>
      %dma_wait3A_178 = tpu.memref_slice %arg12[%dma_wait3A_167] : memref<12x!tpu.dma_semaphore, #tpu.memory_space<semaphore_mem>> -> memref<1x!tpu.dma_semaphore, #tpu.memory_space<semaphore_mem>>
      %dma_wait3A_179 = tpu.memref_squeeze %dma_wait3A_178 : memref<1x!tpu.dma_semaphore, #tpu.memory_space<semaphore_mem>> -> memref<!tpu.dma_semaphore, #tpu.memory_space<semaphore_mem>>
      tpu.wait_indirect_dma semaphore(%dma_wait3A_179 : memref<!tpu.dma_semaphore, #tpu.memory_space<semaphore_mem>>) src(%dma_wait3A_171 : memref<128x32xbf16, #tpu.memory_space<vmem>>) dst(%dma_wait3A_177 : memref<50048x32xbf16, #tpu.memory_space<vmem_shared>>)
      %dma_wait3A_180 = arith.constant 2 : i32
      %dma_wait3A_181 = arith.constant 0 : i32
      %dma_wait3A_182 = arith.constant 0 : i32
      %dma_wait3A_183 = arith.constant 2 : i32
      %dma_wait3A_184 = arith.constant 0 : i32
      %dma_wait3A_185 = arith.constant 0 : i32
      %dma_wait3A_186 = tpu.memref_slice %arg9[%dma_wait3A_180, %dma_wait3A_184, %dma_wait3A_185] : memref<12x128x32xbf16, #tpu.memory_space<vmem>> -> memref<1x128x32xbf16, #tpu.memory_space<vmem>>
      %dma_wait3A_187 = tpu.memref_squeeze %dma_wait3A_186 : memref<1x128x32xbf16, #tpu.memory_space<vmem>> -> memref<128x32xbf16, #tpu.memory_space<vmem>>
      %dma_wait3A_188 = arith.constant 0 : i32
      %dma_wait3A_189 = tpu.memref_slice %arg8[%dma_wait3A_181, %dma_wait3A_182, %dma_wait3A_188] : memref<100x1x128xi32, #tpu.memory_space<vmem>> -> memref<1x1x128xi32, #tpu.memory_space<vmem>>
      %dma_wait3A_190 = tpu.memref_squeeze %dma_wait3A_189 : memref<1x1x128xi32, #tpu.memory_space<vmem>> -> memref<128xi32, #tpu.memory_space<vmem>>
      %dma_wait3A_191 = arith.constant 0 : i32
      %dma_wait3A_192 = arith.constant 0 : i32
      %dma_wait3A_193 = tpu.memref_slice %arg10[%dma_wait3A_191, %dma_wait3A_192] : memref<50048x32xbf16, #tpu.memory_space<vmem_shared>> -> memref<50048x32xbf16, #tpu.memory_space<vmem_shared>>
      %dma_wait3A_194 = tpu.memref_slice %arg12[%dma_wait3A_183] : memref<12x!tpu.dma_semaphore, #tpu.memory_space<semaphore_mem>> -> memref<1x!tpu.dma_semaphore, #tpu.memory_space<semaphore_mem>>
      %dma_wait3A_195 = tpu.memref_squeeze %dma_wait3A_194 : memref<1x!tpu.dma_semaphore, #tpu.memory_space<semaphore_mem>> -> memref<!tpu.dma_semaphore, #tpu.memory_space<semaphore_mem>>
      tpu.wait_indirect_dma semaphore(%dma_wait3A_195 : memref<!tpu.dma_semaphore, #tpu.memory_space<semaphore_mem>>) src(%dma_wait3A_187 : memref<128x32xbf16, #tpu.memory_space<vmem>>) dst(%dma_wait3A_193 : memref<50048x32xbf16, #tpu.memory_space<vmem_shared>>)
      %dma_wait3A_196 = arith.constant 3 : i32
      %dma_wait3A_197 = arith.constant 0 : i32
      %dma_wait3A_198 = arith.constant 0 : i32
      %dma_wait3A_199 = arith.constant 3 : i32
      %dma_wait3A_200 = arith.constant 0 : i32
      %dma_wait3A_201 = arith.constant 0 : i32
      %dma_wait3A_202 = tpu.memref_slice %arg9[%dma_wait3A_196, %dma_wait3A_200, %dma_wait3A_201] : memref<12x128x32xbf16, #tpu.memory_space<vmem>> -> memref<1x128x32xbf16, #tpu.memory_space<vmem>>
      %dma_wait3A_203 = tpu.memref_squeeze %dma_wait3A_202 : memref<1x128x32xbf16, #tpu.memory_space<vmem>> -> memref<128x32xbf16, #tpu.memory_space<vmem>>
      %dma_wait3A_204 = arith.constant 0 : i32
      %dma_wait3A_205 = tpu.memref_slice %arg8[%dma_wait3A_197, %dma_wait3A_198, %dma_wait3A_204] : memref<100x1x128xi32, #tpu.memory_space<vmem>> -> memref<1x1x128xi32, #tpu.memory_space<vmem>>
      %dma_wait3A_206 = tpu.memref_squeeze %dma_wait3A_205 : memref<1x1x128xi32, #tpu.memory_space<vmem>> -> memref<128xi32, #tpu.memory_space<vmem>>
      %dma_wait3A_207 = arith.constant 0 : i32
      %dma_wait3A_208 = arith.constant 0 : i32
      %dma_wait3A_209 = tpu.memref_slice %arg10[%dma_wait3A_207, %dma_wait3A_208] : memref<50048x32xbf16, #tpu.memory_space<vmem_shared>> -> memref<50048x32xbf16, #tpu.memory_space<vmem_shared>>
      %dma_wait3A_210 = tpu.memref_slice %arg12[%dma_wait3A_199] : memref<12x!tpu.dma_semaphore, #tpu.memory_space<semaphore_mem>> -> memref<1x!tpu.dma_semaphore, #tpu.memory_space<semaphore_mem>>
      %dma_wait3A_211 = tpu.memref_squeeze %dma_wait3A_210 : memref<1x!tpu.dma_semaphore, #tpu.memory_space<semaphore_mem>> -> memref<!tpu.dma_semaphore, #tpu.memory_space<semaphore_mem>>
      tpu.wait_indirect_dma semaphore(%dma_wait3A_211 : memref<!tpu.dma_semaphore, #tpu.memory_space<semaphore_mem>>) src(%dma_wait3A_203 : memref<128x32xbf16, #tpu.memory_space<vmem>>) dst(%dma_wait3A_209 : memref<50048x32xbf16, #tpu.memory_space<vmem_shared>>)
    }
    %scan3A_5 = arith.constant 4 : i32
    %barrier3A_6 = arith.constant 0 : index
    tpu.barrier barrier_id(%barrier3A_6)
    %mul3A_7 = arith.constant 3128 : i32
    %mul3A_8 = arith.muli %arg1, %mul3A_7 : i32
    %mul3A_9 = arith.constant 3128 : i32
    %mul3A_10 = arith.muli %arg1, %mul3A_9 : i32
    "tpu.region"() ({
      %run_scoped3A = tpu.sem_alloc : memref<!tpu.dma_semaphore, #tpu.memory_space<semaphore_mem>>
      %dma_start3A = arith.constant 0 : i32
      %dma_start3A_11 = tpu.memref_slice %arg6[%arg0, %mul3A_10, %dma_start3A] : memref<2x50048x32xbf16, #tpu.memory_space<hbm>> -> memref<1x3128x32xbf16, #tpu.memory_space<hbm>>
      %dma_start3A_12 = tpu.memref_squeeze %dma_start3A_11 : memref<1x3128x32xbf16, #tpu.memory_space<hbm>> -> memref<3128x32xbf16, #tpu.memory_space<hbm>>
      %dma_start3A_13 = arith.constant 0 : i32
      %dma_start3A_14 = tpu.memref_slice %arg10[%mul3A_8, %dma_start3A_13] : memref<50048x32xbf16, #tpu.memory_space<vmem_shared>> -> memref<3128x32xbf16, #tpu.memory_space<vmem_shared>>
      tpu.enqueue_dma source(%dma_start3A_14 : memref<3128x32xbf16, #tpu.memory_space<vmem_shared>>) target(%dma_start3A_12 : memref<3128x32xbf16, #tpu.memory_space<hbm>>) target_semaphore(%run_scoped3A : memref<!tpu.dma_semaphore, #tpu.memory_space<semaphore_mem>>)
      %dma_wait3A = arith.constant 0 : i32
      %dma_wait3A_15 = tpu.memref_slice %arg6[%arg0, %mul3A_10, %dma_wait3A] : memref<2x50048x32xbf16, #tpu.memory_space<hbm>> -> memref<1x3128x32xbf16, #tpu.memory_space<hbm>>
      %dma_wait3A_16 = tpu.memref_squeeze %dma_wait3A_15 : memref<1x3128x32xbf16, #tpu.memory_space<hbm>> -> memref<3128x32xbf16, #tpu.memory_space<hbm>>
      %dma_wait3A_17 = arith.constant 0 : i32
      %dma_wait3A_18 = tpu.memref_slice %arg10[%mul3A_8, %dma_wait3A_17] : memref<50048x32xbf16, #tpu.memory_space<vmem_shared>> -> memref<3128x32xbf16, #tpu.memory_space<vmem_shared>>
      tpu.wait_dma2 semaphore(%run_scoped3A : memref<!tpu.dma_semaphore, #tpu.memory_space<semaphore_mem>>) src(%dma_wait3A_18 : memref<3128x32xbf16, #tpu.memory_space<vmem_shared>>) dst(%dma_wait3A_16 : memref<3128x32xbf16, #tpu.memory_space<hbm>>)
      tpu.yield
    }) : () -> ()
    return
  }
}

#map = affine_map<(d0, d1) -> (0, 0, 0)>
#map1 = affine_map<(d0, d1) -> (0)>
#map2 = affine_map<(d0, d1) -> (0, 0)>
module attributes {stable_mosaic.version = 14 : i64} {
  func.func @_deg_body(%arg0: i32, %arg1: i32, %arg2: memref<6400x1x128xi32, #tpu.memory_space<hbm>>, %arg3: memref<6400x1x128xi32, #tpu.memory_space<hbm>>, %arg4: memref<128xf32, #tpu.memory_space<hbm>>, %arg5: memref<6256xf32, #tpu.memory_space<hbm>>, %arg6: memref<2x100096xf32, #tpu.memory_space<hbm>>, %arg7: memref<200x1x128xi32, #tpu.memory_space<vmem>>, %arg8: memref<200x1x128xi32, #tpu.memory_space<vmem>>, %arg9: memref<128xf32, #tpu.memory_space<vmem>>, %arg10: memref<100096xf32, #tpu.memory_space<vmem_shared>>, %arg11: memref<!tpu.dma_semaphore, #tpu.memory_space<semaphore_mem>>) attributes {dimension_semantics = [#tpu.dimension_semantics<core_parallel>, #tpu.dimension_semantics<subcore_parallel>], iteration_bounds = array<i64: 2, 16>, scalar_prefetch = 0 : i64, scratch_operands = 5 : i64, tpu.core_type = #tpu.core_type<sc_vector_subcore>, window_params = [{transform_indices = #map}, {transform_indices = #map}, {transform_indices = #map1}, {transform_indices = #map1}, {transform_indices = #map2}]} {
    %mul3A = arith.constant 16 : i32
    %mul3A_0 = arith.muli %arg0, %mul3A : i32
    %add3A = arith.addi %mul3A_0, %arg1 : i32
    %mul3A_1 = arith.constant 200 : i32
    %mul3A_2 = arith.muli %add3A, %mul3A_1 : i32
    "tpu.region"() ({
      %run_scoped3A = tpu.sem_alloc : memref<!tpu.dma_semaphore, #tpu.memory_space<semaphore_mem>>
      %dma_start3A = arith.constant 0 : i32
      %dma_start3A_128 = arith.constant 0 : i32
      %dma_start3A_129 = tpu.memref_slice %arg2[%mul3A_2, %dma_start3A, %dma_start3A_128] : memref<6400x1x128xi32, #tpu.memory_space<hbm>> -> memref<200x1x128xi32, #tpu.memory_space<hbm>>
      %dma_start3A_130 = arith.constant 0 : i32
      %dma_start3A_131 = arith.constant 0 : i32
      %dma_start3A_132 = tpu.memref_slice %arg2[%mul3A_2, %dma_start3A_130, %dma_start3A_131] : memref<6400x1x128xi32, #tpu.memory_space<hbm>> -> memref<200x1x128xi32, #tpu.memory_space<hbm>>
      tpu.enqueue_dma source(%dma_start3A_132 : memref<200x1x128xi32, #tpu.memory_space<hbm>>) target(%arg7 : memref<200x1x128xi32, #tpu.memory_space<vmem>>) target_semaphore(%run_scoped3A : memref<!tpu.dma_semaphore, #tpu.memory_space<semaphore_mem>>)
      %dma_wait3A_133 = arith.constant 0 : i32
      %dma_wait3A_134 = arith.constant 0 : i32
      %dma_wait3A_135 = tpu.memref_slice %arg2[%mul3A_2, %dma_wait3A_133, %dma_wait3A_134] : memref<6400x1x128xi32, #tpu.memory_space<hbm>> -> memref<200x1x128xi32, #tpu.memory_space<hbm>>
      %dma_wait3A_136 = arith.constant 0 : i32
      %dma_wait3A_137 = arith.constant 0 : i32
      %dma_wait3A_138 = tpu.memref_slice %arg2[%mul3A_2, %dma_wait3A_136, %dma_wait3A_137] : memref<6400x1x128xi32, #tpu.memory_space<hbm>> -> memref<200x1x128xi32, #tpu.memory_space<hbm>>
      tpu.wait_dma2 semaphore(%run_scoped3A : memref<!tpu.dma_semaphore, #tpu.memory_space<semaphore_mem>>) src(%dma_wait3A_138 : memref<200x1x128xi32, #tpu.memory_space<hbm>>) dst(%arg7 : memref<200x1x128xi32, #tpu.memory_space<vmem>>)
      tpu.yield
    }) : () -> ()
    %mul3A_3 = arith.constant 200 : i32
    %mul3A_4 = arith.muli %add3A, %mul3A_3 : i32
    "tpu.region"() ({
      %run_scoped3A = tpu.sem_alloc : memref<!tpu.dma_semaphore, #tpu.memory_space<semaphore_mem>>
      %dma_start3A = arith.constant 0 : i32
      %dma_start3A_128 = arith.constant 0 : i32
      %dma_start3A_129 = tpu.memref_slice %arg3[%mul3A_4, %dma_start3A, %dma_start3A_128] : memref<6400x1x128xi32, #tpu.memory_space<hbm>> -> memref<200x1x128xi32, #tpu.memory_space<hbm>>
      %dma_start3A_130 = arith.constant 0 : i32
      %dma_start3A_131 = arith.constant 0 : i32
      %dma_start3A_132 = tpu.memref_slice %arg3[%mul3A_4, %dma_start3A_130, %dma_start3A_131] : memref<6400x1x128xi32, #tpu.memory_space<hbm>> -> memref<200x1x128xi32, #tpu.memory_space<hbm>>
      tpu.enqueue_dma source(%dma_start3A_132 : memref<200x1x128xi32, #tpu.memory_space<hbm>>) target(%arg8 : memref<200x1x128xi32, #tpu.memory_space<vmem>>) target_semaphore(%run_scoped3A : memref<!tpu.dma_semaphore, #tpu.memory_space<semaphore_mem>>)
      %dma_wait3A_133 = arith.constant 0 : i32
      %dma_wait3A_134 = arith.constant 0 : i32
      %dma_wait3A_135 = tpu.memref_slice %arg3[%mul3A_4, %dma_wait3A_133, %dma_wait3A_134] : memref<6400x1x128xi32, #tpu.memory_space<hbm>> -> memref<200x1x128xi32, #tpu.memory_space<hbm>>
      %dma_wait3A_136 = arith.constant 0 : i32
      %dma_wait3A_137 = arith.constant 0 : i32
      %dma_wait3A_138 = tpu.memref_slice %arg3[%mul3A_4, %dma_wait3A_136, %dma_wait3A_137] : memref<6400x1x128xi32, #tpu.memory_space<hbm>> -> memref<200x1x128xi32, #tpu.memory_space<hbm>>
      tpu.wait_dma2 semaphore(%run_scoped3A : memref<!tpu.dma_semaphore, #tpu.memory_space<semaphore_mem>>) src(%dma_wait3A_138 : memref<200x1x128xi32, #tpu.memory_space<hbm>>) dst(%arg8 : memref<200x1x128xi32, #tpu.memory_space<vmem>>)
      tpu.yield
    }) : () -> ()
    "tpu.region"() ({
      %run_scoped3A = tpu.sem_alloc : memref<!tpu.dma_semaphore, #tpu.memory_space<semaphore_mem>>
      tpu.enqueue_dma source(%arg4 : memref<128xf32, #tpu.memory_space<hbm>>) target(%arg9 : memref<128xf32, #tpu.memory_space<vmem>>) target_semaphore(%run_scoped3A : memref<!tpu.dma_semaphore, #tpu.memory_space<semaphore_mem>>)
      tpu.wait_dma2 semaphore(%run_scoped3A : memref<!tpu.dma_semaphore, #tpu.memory_space<semaphore_mem>>) src(%arg4 : memref<128xf32, #tpu.memory_space<hbm>>) dst(%arg9 : memref<128xf32, #tpu.memory_space<vmem>>)
      tpu.yield
    }) : () -> ()
    %mul3A_5 = arith.constant 6256 : i32
    %mul3A_6 = arith.muli %arg1, %mul3A_5 : i32
    "tpu.region"() ({
      %run_scoped3A = tpu.sem_alloc : memref<!tpu.dma_semaphore, #tpu.memory_space<semaphore_mem>>
      %dma_start3A = tpu.memref_slice %arg10[%mul3A_6] : memref<100096xf32, #tpu.memory_space<vmem_shared>> -> memref<6256xf32, #tpu.memory_space<vmem_shared>>
      tpu.enqueue_dma source(%arg5 : memref<6256xf32, #tpu.memory_space<hbm>>) target(%dma_start3A : memref<6256xf32, #tpu.memory_space<vmem_shared>>) target_semaphore(%run_scoped3A : memref<!tpu.dma_semaphore, #tpu.memory_space<semaphore_mem>>)
      %dma_wait3A_128 = tpu.memref_slice %arg10[%mul3A_6] : memref<100096xf32, #tpu.memory_space<vmem_shared>> -> memref<6256xf32, #tpu.memory_space<vmem_shared>>
      tpu.wait_dma2 semaphore(%run_scoped3A : memref<!tpu.dma_semaphore, #tpu.memory_space<semaphore_mem>>) src(%arg5 : memref<6256xf32, #tpu.memory_space<hbm>>) dst(%dma_wait3A_128 : memref<6256xf32, #tpu.memory_space<vmem_shared>>)
      tpu.yield
    }) : () -> ()
    %barrier3A = arith.constant 0 : index
    tpu.barrier barrier_id(%barrier3A)
    %scan3A = arith.constant 0 : i32
    %scan3A_7 = arith.constant 0 : i32
    %scan3A_8 = arith.constant 200 : i32
    %scan3A_9 = arith.addi %scan3A_7, %scan3A_8 : i32
    %scan3A_10 = arith.constant 1 : i32
    scf.for %scan3A_128 = %scan3A_7 to %scan3A_9 step %scan3A_10  : i32 {
      %dma_start3A = arith.constant 0 : i32
      %dma_start3A_129 = arith.constant 0 : i32
      %dma_start3A_130 = tpu.memref_slice %arg7[%scan3A_128, %dma_start3A, %dma_start3A_129] : memref<200x1x128xi32, #tpu.memory_space<vmem>> -> memref<1x1x128xi32, #tpu.memory_space<vmem>>
      %dma_start3A_131 = tpu.memref_squeeze %dma_start3A_130 : memref<1x1x128xi32, #tpu.memory_space<vmem>> -> memref<128xi32, #tpu.memory_space<vmem>>
      %dma_start3A_132 = arith.constant 0 : i32
      %dma_start3A_133 = tpu.memref_slice %arg10[%dma_start3A_132] : memref<100096xf32, #tpu.memory_space<vmem_shared>> -> memref<100096xf32, #tpu.memory_space<vmem_shared>>
      tpu.enqueue_indirect_dma source(%arg9 : memref<128xf32, #tpu.memory_space<vmem>>) target(%dma_start3A_133 : memref<100096xf32, #tpu.memory_space<vmem_shared>>) offsets(%dma_start3A_131 : memref<128xi32, #tpu.memory_space<vmem>>) semaphore(%arg11 : memref<!tpu.dma_semaphore, #tpu.memory_space<semaphore_mem>>) {add = true}
      %dma_start3A_134 = arith.constant 0 : i32
      %dma_start3A_135 = arith.constant 0 : i32
      %dma_start3A_136 = tpu.memref_slice %arg8[%scan3A_128, %dma_start3A_134, %dma_start3A_135] : memref<200x1x128xi32, #tpu.memory_space<vmem>> -> memref<1x1x128xi32, #tpu.memory_space<vmem>>
      %dma_start3A_137 = tpu.memref_squeeze %dma_start3A_136 : memref<1x1x128xi32, #tpu.memory_space<vmem>> -> memref<128xi32, #tpu.memory_space<vmem>>
      %dma_start3A_138 = arith.constant 0 : i32
      %dma_start3A_139 = tpu.memref_slice %arg10[%dma_start3A_138] : memref<100096xf32, #tpu.memory_space<vmem_shared>> -> memref<100096xf32, #tpu.memory_space<vmem_shared>>
      tpu.enqueue_indirect_dma source(%arg9 : memref<128xf32, #tpu.memory_space<vmem>>) target(%dma_start3A_139 : memref<100096xf32, #tpu.memory_space<vmem_shared>>) offsets(%dma_start3A_137 : memref<128xi32, #tpu.memory_space<vmem>>) semaphore(%arg11 : memref<!tpu.dma_semaphore, #tpu.memory_space<semaphore_mem>>) {add = true}
      %ge3A = arith.constant 8 : i32
      %ge3A_140 = arith.cmpi sge, %scan3A_128, %ge3A : i32
      %convert_element_type3A = arith.extui %ge3A_140 : i1 to i32
      %cond3A = arith.constant 0 : i32
      %cond3A_141 = arith.cmpi ne, %convert_element_type3A, %cond3A : i32
      scf.if %cond3A_141 {
        %dma_wait3A_142 = arith.constant 0 : i32
        %dma_wait3A_143 = arith.constant 0 : i32
        %dma_wait3A_144 = tpu.memref_slice %arg7[%scan3A_128, %dma_wait3A_142, %dma_wait3A_143] : memref<200x1x128xi32, #tpu.memory_space<vmem>> -> memref<1x1x128xi32, #tpu.memory_space<vmem>>
        %dma_wait3A_145 = tpu.memref_squeeze %dma_wait3A_144 : memref<1x1x128xi32, #tpu.memory_space<vmem>> -> memref<128xi32, #tpu.memory_space<vmem>>
        %dma_wait3A_146 = arith.constant 0 : i32
        %dma_wait3A_147 = tpu.memref_slice %arg10[%dma_wait3A_146] : memref<100096xf32, #tpu.memory_space<vmem_shared>> -> memref<100096xf32, #tpu.memory_space<vmem_shared>>
        tpu.wait_indirect_dma semaphore(%arg11 : memref<!tpu.dma_semaphore, #tpu.memory_space<semaphore_mem>>) src(%arg9 : memref<128xf32, #tpu.memory_space<vmem>>) dst(%dma_wait3A_147 : memref<100096xf32, #tpu.memory_space<vmem_shared>>)
        %dma_wait3A_148 = arith.constant 0 : i32
        %dma_wait3A_149 = arith.constant 0 : i32
        %dma_wait3A_150 = tpu.memref_slice %arg8[%scan3A_128, %dma_wait3A_148, %dma_wait3A_149] : memref<200x1x128xi32, #tpu.memory_space<vmem>> -> memref<1x1x128xi32, #tpu.memory_space<vmem>>
        %dma_wait3A_151 = tpu.memref_squeeze %dma_wait3A_150 : memref<1x1x128xi32, #tpu.memory_space<vmem>> -> memref<128xi32, #tpu.memory_space<vmem>>
        %dma_wait3A_152 = arith.constant 0 : i32
        %dma_wait3A_153 = tpu.memref_slice %arg10[%dma_wait3A_152] : memref<100096xf32, #tpu.memory_space<vmem_shared>> -> memref<100096xf32, #tpu.memory_space<vmem_shared>>
        tpu.wait_indirect_dma semaphore(%arg11 : memref<!tpu.dma_semaphore, #tpu.memory_space<semaphore_mem>>) src(%arg9 : memref<128xf32, #tpu.memory_space<vmem>>) dst(%dma_wait3A_153 : memref<100096xf32, #tpu.memory_space<vmem_shared>>)
      } else {
      }
    }
    %scan3A_11 = arith.constant 200 : i32
    %dma_wait3A = arith.constant 0 : i32
    %dma_wait3A_12 = arith.constant 0 : i32
    %dma_wait3A_13 = arith.constant 0 : i32
    %dma_wait3A_14 = tpu.memref_slice %arg7[%dma_wait3A, %dma_wait3A_12, %dma_wait3A_13] : memref<200x1x128xi32, #tpu.memory_space<vmem>> -> memref<1x1x128xi32, #tpu.memory_space<vmem>>
    %dma_wait3A_15 = tpu.memref_squeeze %dma_wait3A_14 : memref<1x1x128xi32, #tpu.memory_space<vmem>> -> memref<128xi32, #tpu.memory_space<vmem>>
    %dma_wait3A_16 = arith.constant 0 : i32
    %dma_wait3A_17 = tpu.memref_slice %arg10[%dma_wait3A_16] : memref<100096xf32, #tpu.memory_space<vmem_shared>> -> memref<100096xf32, #tpu.memory_space<vmem_shared>>
    tpu.wait_indirect_dma semaphore(%arg11 : memref<!tpu.dma_semaphore, #tpu.memory_space<semaphore_mem>>) src(%arg9 : memref<128xf32, #tpu.memory_space<vmem>>) dst(%dma_wait3A_17 : memref<100096xf32, #tpu.memory_space<vmem_shared>>)
    %dma_wait3A_18 = arith.constant 0 : i32
    %dma_wait3A_19 = arith.constant 0 : i32
    %dma_wait3A_20 = arith.constant 0 : i32
    %dma_wait3A_21 = tpu.memref_slice %arg8[%dma_wait3A_18, %dma_wait3A_19, %dma_wait3A_20] : memref<200x1x128xi32, #tpu.memory_space<vmem>> -> memref<1x1x128xi32, #tpu.memory_space<vmem>>
    %dma_wait3A_22 = tpu.memref_squeeze %dma_wait3A_21 : memref<1x1x128xi32, #tpu.memory_space<vmem>> -> memref<128xi32, #tpu.memory_space<vmem>>
    %dma_wait3A_23 = arith.constant 0 : i32
    %dma_wait3A_24 = tpu.memref_slice %arg10[%dma_wait3A_23] : memref<100096xf32, #tpu.memory_space<vmem_shared>> -> memref<100096xf32, #tpu.memory_space<vmem_shared>>
    tpu.wait_indirect_dma semaphore(%arg11 : memref<!tpu.dma_semaphore, #tpu.memory_space<semaphore_mem>>) src(%arg9 : memref<128xf32, #tpu.memory_space<vmem>>) dst(%dma_wait3A_24 : memref<100096xf32, #tpu.memory_space<vmem_shared>>)
    %dma_wait3A_25 = arith.constant 0 : i32
    %dma_wait3A_26 = arith.constant 0 : i32
    %dma_wait3A_27 = arith.constant 0 : i32
    %dma_wait3A_28 = tpu.memref_slice %arg7[%dma_wait3A_25, %dma_wait3A_26, %dma_wait3A_27] : memref<200x1x128xi32, #tpu.memory_space<vmem>> -> memref<1x1x128xi32, #tpu.memory_space<vmem>>
    %dma_wait3A_29 = tpu.memref_squeeze %dma_wait3A_28 : memref<1x1x128xi32, #tpu.memory_space<vmem>> -> memref<128xi32, #tpu.memory_space<vmem>>
    %dma_wait3A_30 = arith.constant 0 : i32
    %dma_wait3A_31 = tpu.memref_slice %arg10[%dma_wait3A_30] : memref<100096xf32, #tpu.memory_space<vmem_shared>> -> memref<100096xf32, #tpu.memory_space<vmem_shared>>
    tpu.wait_indirect_dma semaphore(%arg11 : memref<!tpu.dma_semaphore, #tpu.memory_space<semaphore_mem>>) src(%arg9 : memref<128xf32, #tpu.memory_space<vmem>>) dst(%dma_wait3A_31 : memref<100096xf32, #tpu.memory_space<vmem_shared>>)
    %dma_wait3A_32 = arith.constant 0 : i32
    %dma_wait3A_33 = arith.constant 0 : i32
    %dma_wait3A_34 = arith.constant 0 : i32
    %dma_wait3A_35 = tpu.memref_slice %arg8[%dma_wait3A_32, %dma_wait3A_33, %dma_wait3A_34] : memref<200x1x128xi32, #tpu.memory_space<vmem>> -> memref<1x1x128xi32, #tpu.memory_space<vmem>>
    %dma_wait3A_36 = tpu.memref_squeeze %dma_wait3A_35 : memref<1x1x128xi32, #tpu.memory_space<vmem>> -> memref<128xi32, #tpu.memory_space<vmem>>
    %dma_wait3A_37 = arith.constant 0 : i32
    %dma_wait3A_38 = tpu.memref_slice %arg10[%dma_wait3A_37] : memref<100096xf32, #tpu.memory_space<vmem_shared>> -> memref<100096xf32, #tpu.memory_space<vmem_shared>>
    tpu.wait_indirect_dma semaphore(%arg11 : memref<!tpu.dma_semaphore, #tpu.memory_space<semaphore_mem>>) src(%arg9 : memref<128xf32, #tpu.memory_space<vmem>>) dst(%dma_wait3A_38 : memref<100096xf32, #tpu.memory_space<vmem_shared>>)
    %dma_wait3A_39 = arith.constant 0 : i32
    %dma_wait3A_40 = arith.constant 0 : i32
    %dma_wait3A_41 = arith.constant 0 : i32
    %dma_wait3A_42 = tpu.memref_slice %arg7[%dma_wait3A_39, %dma_wait3A_40, %dma_wait3A_41] : memref<200x1x128xi32, #tpu.memory_space<vmem>> -> memref<1x1x128xi32, #tpu.memory_space<vmem>>
    %dma_wait3A_43 = tpu.memref_squeeze %dma_wait3A_42 : memref<1x1x128xi32, #tpu.memory_space<vmem>> -> memref<128xi32, #tpu.memory_space<vmem>>
    %dma_wait3A_44 = arith.constant 0 : i32
    %dma_wait3A_45 = tpu.memref_slice %arg10[%dma_wait3A_44] : memref<100096xf32, #tpu.memory_space<vmem_shared>> -> memref<100096xf32, #tpu.memory_space<vmem_shared>>
    tpu.wait_indirect_dma semaphore(%arg11 : memref<!tpu.dma_semaphore, #tpu.memory_space<semaphore_mem>>) src(%arg9 : memref<128xf32, #tpu.memory_space<vmem>>) dst(%dma_wait3A_45 : memref<100096xf32, #tpu.memory_space<vmem_shared>>)
    %dma_wait3A_46 = arith.constant 0 : i32
    %dma_wait3A_47 = arith.constant 0 : i32
    %dma_wait3A_48 = arith.constant 0 : i32
    %dma_wait3A_49 = tpu.memref_slice %arg8[%dma_wait3A_46, %dma_wait3A_47, %dma_wait3A_48] : memref<200x1x128xi32, #tpu.memory_space<vmem>> -> memref<1x1x128xi32, #tpu.memory_space<vmem>>
    %dma_wait3A_50 = tpu.memref_squeeze %dma_wait3A_49 : memref<1x1x128xi32, #tpu.memory_space<vmem>> -> memref<128xi32, #tpu.memory_space<vmem>>
    %dma_wait3A_51 = arith.constant 0 : i32
    %dma_wait3A_52 = tpu.memref_slice %arg10[%dma_wait3A_51] : memref<100096xf32, #tpu.memory_space<vmem_shared>> -> memref<100096xf32, #tpu.memory_space<vmem_shared>>
    tpu.wait_indirect_dma semaphore(%arg11 : memref<!tpu.dma_semaphore, #tpu.memory_space<semaphore_mem>>) src(%arg9 : memref<128xf32, #tpu.memory_space<vmem>>) dst(%dma_wait3A_52 : memref<100096xf32, #tpu.memory_space<vmem_shared>>)
    %dma_wait3A_53 = arith.constant 0 : i32
    %dma_wait3A_54 = arith.constant 0 : i32
    %dma_wait3A_55 = arith.constant 0 : i32
    %dma_wait3A_56 = tpu.memref_slice %arg7[%dma_wait3A_53, %dma_wait3A_54, %dma_wait3A_55] : memref<200x1x128xi32, #tpu.memory_space<vmem>> -> memref<1x1x128xi32, #tpu.memory_space<vmem>>
    %dma_wait3A_57 = tpu.memref_squeeze %dma_wait3A_56 : memref<1x1x128xi32, #tpu.memory_space<vmem>> -> memref<128xi32, #tpu.memory_space<vmem>>
    %dma_wait3A_58 = arith.constant 0 : i32
    %dma_wait3A_59 = tpu.memref_slice %arg10[%dma_wait3A_58] : memref<100096xf32, #tpu.memory_space<vmem_shared>> -> memref<100096xf32, #tpu.memory_space<vmem_shared>>
    tpu.wait_indirect_dma semaphore(%arg11 : memref<!tpu.dma_semaphore, #tpu.memory_space<semaphore_mem>>) src(%arg9 : memref<128xf32, #tpu.memory_space<vmem>>) dst(%dma_wait3A_59 : memref<100096xf32, #tpu.memory_space<vmem_shared>>)
    %dma_wait3A_60 = arith.constant 0 : i32
    %dma_wait3A_61 = arith.constant 0 : i32
    %dma_wait3A_62 = arith.constant 0 : i32
    %dma_wait3A_63 = tpu.memref_slice %arg8[%dma_wait3A_60, %dma_wait3A_61, %dma_wait3A_62] : memref<200x1x128xi32, #tpu.memory_space<vmem>> -> memref<1x1x128xi32, #tpu.memory_space<vmem>>
    %dma_wait3A_64 = tpu.memref_squeeze %dma_wait3A_63 : memref<1x1x128xi32, #tpu.memory_space<vmem>> -> memref<128xi32, #tpu.memory_space<vmem>>
    %dma_wait3A_65 = arith.constant 0 : i32
    %dma_wait3A_66 = tpu.memref_slice %arg10[%dma_wait3A_65] : memref<100096xf32, #tpu.memory_space<vmem_shared>> -> memref<100096xf32, #tpu.memory_space<vmem_shared>>
    tpu.wait_indirect_dma semaphore(%arg11 : memref<!tpu.dma_semaphore, #tpu.memory_space<semaphore_mem>>) src(%arg9 : memref<128xf32, #tpu.memory_space<vmem>>) dst(%dma_wait3A_66 : memref<100096xf32, #tpu.memory_space<vmem_shared>>)
    %dma_wait3A_67 = arith.constant 0 : i32
    %dma_wait3A_68 = arith.constant 0 : i32
    %dma_wait3A_69 = arith.constant 0 : i32
    %dma_wait3A_70 = tpu.memref_slice %arg7[%dma_wait3A_67, %dma_wait3A_68, %dma_wait3A_69] : memref<200x1x128xi32, #tpu.memory_space<vmem>> -> memref<1x1x128xi32, #tpu.memory_space<vmem>>
    %dma_wait3A_71 = tpu.memref_squeeze %dma_wait3A_70 : memref<1x1x128xi32, #tpu.memory_space<vmem>> -> memref<128xi32, #tpu.memory_space<vmem>>
    %dma_wait3A_72 = arith.constant 0 : i32
    %dma_wait3A_73 = tpu.memref_slice %arg10[%dma_wait3A_72] : memref<100096xf32, #tpu.memory_space<vmem_shared>> -> memref<100096xf32, #tpu.memory_space<vmem_shared>>
    tpu.wait_indirect_dma semaphore(%arg11 : memref<!tpu.dma_semaphore, #tpu.memory_space<semaphore_mem>>) src(%arg9 : memref<128xf32, #tpu.memory_space<vmem>>) dst(%dma_wait3A_73 : memref<100096xf32, #tpu.memory_space<vmem_shared>>)
    %dma_wait3A_74 = arith.constant 0 : i32
    %dma_wait3A_75 = arith.constant 0 : i32
    %dma_wait3A_76 = arith.constant 0 : i32
    %dma_wait3A_77 = tpu.memref_slice %arg8[%dma_wait3A_74, %dma_wait3A_75, %dma_wait3A_76] : memref<200x1x128xi32, #tpu.memory_space<vmem>> -> memref<1x1x128xi32, #tpu.memory_space<vmem>>
    %dma_wait3A_78 = tpu.memref_squeeze %dma_wait3A_77 : memref<1x1x128xi32, #tpu.memory_space<vmem>> -> memref<128xi32, #tpu.memory_space<vmem>>
    %dma_wait3A_79 = arith.constant 0 : i32
    %dma_wait3A_80 = tpu.memref_slice %arg10[%dma_wait3A_79] : memref<100096xf32, #tpu.memory_space<vmem_shared>> -> memref<100096xf32, #tpu.memory_space<vmem_shared>>
    tpu.wait_indirect_dma semaphore(%arg11 : memref<!tpu.dma_semaphore, #tpu.memory_space<semaphore_mem>>) src(%arg9 : memref<128xf32, #tpu.memory_space<vmem>>) dst(%dma_wait3A_80 : memref<100096xf32, #tpu.memory_space<vmem_shared>>)
    %dma_wait3A_81 = arith.constant 0 : i32
    %dma_wait3A_82 = arith.constant 0 : i32
    %dma_wait3A_83 = arith.constant 0 : i32
    %dma_wait3A_84 = tpu.memref_slice %arg7[%dma_wait3A_81, %dma_wait3A_82, %dma_wait3A_83] : memref<200x1x128xi32, #tpu.memory_space<vmem>> -> memref<1x1x128xi32, #tpu.memory_space<vmem>>
    %dma_wait3A_85 = tpu.memref_squeeze %dma_wait3A_84 : memref<1x1x128xi32, #tpu.memory_space<vmem>> -> memref<128xi32, #tpu.memory_space<vmem>>
    %dma_wait3A_86 = arith.constant 0 : i32
    %dma_wait3A_87 = tpu.memref_slice %arg10[%dma_wait3A_86] : memref<100096xf32, #tpu.memory_space<vmem_shared>> -> memref<100096xf32, #tpu.memory_space<vmem_shared>>
    tpu.wait_indirect_dma semaphore(%arg11 : memref<!tpu.dma_semaphore, #tpu.memory_space<semaphore_mem>>) src(%arg9 : memref<128xf32, #tpu.memory_space<vmem>>) dst(%dma_wait3A_87 : memref<100096xf32, #tpu.memory_space<vmem_shared>>)
    %dma_wait3A_88 = arith.constant 0 : i32
    %dma_wait3A_89 = arith.constant 0 : i32
    %dma_wait3A_90 = arith.constant 0 : i32
    %dma_wait3A_91 = tpu.memref_slice %arg8[%dma_wait3A_88, %dma_wait3A_89, %dma_wait3A_90] : memref<200x1x128xi32, #tpu.memory_space<vmem>> -> memref<1x1x128xi32, #tpu.memory_space<vmem>>
    %dma_wait3A_92 = tpu.memref_squeeze %dma_wait3A_91 : memref<1x1x128xi32, #tpu.memory_space<vmem>> -> memref<128xi32, #tpu.memory_space<vmem>>
    %dma_wait3A_93 = arith.constant 0 : i32
    %dma_wait3A_94 = tpu.memref_slice %arg10[%dma_wait3A_93] : memref<100096xf32, #tpu.memory_space<vmem_shared>> -> memref<100096xf32, #tpu.memory_space<vmem_shared>>
    tpu.wait_indirect_dma semaphore(%arg11 : memref<!tpu.dma_semaphore, #tpu.memory_space<semaphore_mem>>) src(%arg9 : memref<128xf32, #tpu.memory_space<vmem>>) dst(%dma_wait3A_94 : memref<100096xf32, #tpu.memory_space<vmem_shared>>)
    %dma_wait3A_95 = arith.constant 0 : i32
    %dma_wait3A_96 = arith.constant 0 : i32
    %dma_wait3A_97 = arith.constant 0 : i32
    %dma_wait3A_98 = tpu.memref_slice %arg7[%dma_wait3A_95, %dma_wait3A_96, %dma_wait3A_97] : memref<200x1x128xi32, #tpu.memory_space<vmem>> -> memref<1x1x128xi32, #tpu.memory_space<vmem>>
    %dma_wait3A_99 = tpu.memref_squeeze %dma_wait3A_98 : memref<1x1x128xi32, #tpu.memory_space<vmem>> -> memref<128xi32, #tpu.memory_space<vmem>>
    %dma_wait3A_100 = arith.constant 0 : i32
    %dma_wait3A_101 = tpu.memref_slice %arg10[%dma_wait3A_100] : memref<100096xf32, #tpu.memory_space<vmem_shared>> -> memref<100096xf32, #tpu.memory_space<vmem_shared>>
    tpu.wait_indirect_dma semaphore(%arg11 : memref<!tpu.dma_semaphore, #tpu.memory_space<semaphore_mem>>) src(%arg9 : memref<128xf32, #tpu.memory_space<vmem>>) dst(%dma_wait3A_101 : memref<100096xf32, #tpu.memory_space<vmem_shared>>)
    %dma_wait3A_102 = arith.constant 0 : i32
    %dma_wait3A_103 = arith.constant 0 : i32
    %dma_wait3A_104 = arith.constant 0 : i32
    %dma_wait3A_105 = tpu.memref_slice %arg8[%dma_wait3A_102, %dma_wait3A_103, %dma_wait3A_104] : memref<200x1x128xi32, #tpu.memory_space<vmem>> -> memref<1x1x128xi32, #tpu.memory_space<vmem>>
    %dma_wait3A_106 = tpu.memref_squeeze %dma_wait3A_105 : memref<1x1x128xi32, #tpu.memory_space<vmem>> -> memref<128xi32, #tpu.memory_space<vmem>>
    %dma_wait3A_107 = arith.constant 0 : i32
    %dma_wait3A_108 = tpu.memref_slice %arg10[%dma_wait3A_107] : memref<100096xf32, #tpu.memory_space<vmem_shared>> -> memref<100096xf32, #tpu.memory_space<vmem_shared>>
    tpu.wait_indirect_dma semaphore(%arg11 : memref<!tpu.dma_semaphore, #tpu.memory_space<semaphore_mem>>) src(%arg9 : memref<128xf32, #tpu.memory_space<vmem>>) dst(%dma_wait3A_108 : memref<100096xf32, #tpu.memory_space<vmem_shared>>)
    %dma_wait3A_109 = arith.constant 0 : i32
    %dma_wait3A_110 = arith.constant 0 : i32
    %dma_wait3A_111 = arith.constant 0 : i32
    %dma_wait3A_112 = tpu.memref_slice %arg7[%dma_wait3A_109, %dma_wait3A_110, %dma_wait3A_111] : memref<200x1x128xi32, #tpu.memory_space<vmem>> -> memref<1x1x128xi32, #tpu.memory_space<vmem>>
    %dma_wait3A_113 = tpu.memref_squeeze %dma_wait3A_112 : memref<1x1x128xi32, #tpu.memory_space<vmem>> -> memref<128xi32, #tpu.memory_space<vmem>>
    %dma_wait3A_114 = arith.constant 0 : i32
    %dma_wait3A_115 = tpu.memref_slice %arg10[%dma_wait3A_114] : memref<100096xf32, #tpu.memory_space<vmem_shared>> -> memref<100096xf32, #tpu.memory_space<vmem_shared>>
    tpu.wait_indirect_dma semaphore(%arg11 : memref<!tpu.dma_semaphore, #tpu.memory_space<semaphore_mem>>) src(%arg9 : memref<128xf32, #tpu.memory_space<vmem>>) dst(%dma_wait3A_115 : memref<100096xf32, #tpu.memory_space<vmem_shared>>)
    %dma_wait3A_116 = arith.constant 0 : i32
    %dma_wait3A_117 = arith.constant 0 : i32
    %dma_wait3A_118 = arith.constant 0 : i32
    %dma_wait3A_119 = tpu.memref_slice %arg8[%dma_wait3A_116, %dma_wait3A_117, %dma_wait3A_118] : memref<200x1x128xi32, #tpu.memory_space<vmem>> -> memref<1x1x128xi32, #tpu.memory_space<vmem>>
    %dma_wait3A_120 = tpu.memref_squeeze %dma_wait3A_119 : memref<1x1x128xi32, #tpu.memory_space<vmem>> -> memref<128xi32, #tpu.memory_space<vmem>>
    %dma_wait3A_121 = arith.constant 0 : i32
    %dma_wait3A_122 = tpu.memref_slice %arg10[%dma_wait3A_121] : memref<100096xf32, #tpu.memory_space<vmem_shared>> -> memref<100096xf32, #tpu.memory_space<vmem_shared>>
    tpu.wait_indirect_dma semaphore(%arg11 : memref<!tpu.dma_semaphore, #tpu.memory_space<semaphore_mem>>) src(%arg9 : memref<128xf32, #tpu.memory_space<vmem>>) dst(%dma_wait3A_122 : memref<100096xf32, #tpu.memory_space<vmem_shared>>)
    %barrier3A_123 = arith.constant 0 : index
    tpu.barrier barrier_id(%barrier3A_123)
    %mul3A_124 = arith.constant 6256 : i32
    %mul3A_125 = arith.muli %arg1, %mul3A_124 : i32
    %mul3A_126 = arith.constant 6256 : i32
    %mul3A_127 = arith.muli %arg1, %mul3A_126 : i32
    "tpu.region"() ({
      %run_scoped3A = tpu.sem_alloc : memref<!tpu.dma_semaphore, #tpu.memory_space<semaphore_mem>>
      %dma_start3A = tpu.memref_slice %arg6[%arg0, %mul3A_127] : memref<2x100096xf32, #tpu.memory_space<hbm>> -> memref<1x6256xf32, #tpu.memory_space<hbm>>
      %dma_start3A_128 = tpu.memref_squeeze %dma_start3A : memref<1x6256xf32, #tpu.memory_space<hbm>> -> memref<6256xf32, #tpu.memory_space<hbm>>
      %dma_start3A_129 = tpu.memref_slice %arg10[%mul3A_125] : memref<100096xf32, #tpu.memory_space<vmem_shared>> -> memref<6256xf32, #tpu.memory_space<vmem_shared>>
      tpu.enqueue_dma source(%dma_start3A_129 : memref<6256xf32, #tpu.memory_space<vmem_shared>>) target(%dma_start3A_128 : memref<6256xf32, #tpu.memory_space<hbm>>) target_semaphore(%run_scoped3A : memref<!tpu.dma_semaphore, #tpu.memory_space<semaphore_mem>>)
      %dma_wait3A_130 = tpu.memref_slice %arg6[%arg0, %mul3A_127] : memref<2x100096xf32, #tpu.memory_space<hbm>> -> memref<1x6256xf32, #tpu.memory_space<hbm>>
      %dma_wait3A_131 = tpu.memref_squeeze %dma_wait3A_130 : memref<1x6256xf32, #tpu.memory_space<hbm>> -> memref<6256xf32, #tpu.memory_space<hbm>>
      %dma_wait3A_132 = tpu.memref_slice %arg10[%mul3A_125] : memref<100096xf32, #tpu.memory_space<vmem_shared>> -> memref<6256xf32, #tpu.memory_space<vmem_shared>>
      tpu.wait_dma2 semaphore(%run_scoped3A : memref<!tpu.dma_semaphore, #tpu.memory_space<semaphore_mem>>) src(%dma_wait3A_132 : memref<6256xf32, #tpu.memory_space<vmem_shared>>) dst(%dma_wait3A_131 : memref<6256xf32, #tpu.memory_space<hbm>>)
      tpu.yield
    }) : () -> ()
    return
  }
}

module attributes {stable_mosaic.version = 14 : i64} {
  func.func @_embed_body(%arg0: i32, %arg1: memref<2176x128xf32, #tpu.memory_space<vmem>>, %arg2: memref<128x64xf32, #tpu.memory_space<vmem>>, %arg3: memref<1x64xf32, #tpu.memory_space<vmem>>, %arg4: memref<2x2176x2xf32, #tpu.memory_space<vmem>>, %arg5: memref<2x2176x32xbf16, #tpu.memory_space<vmem>>) attributes {dimension_semantics = [#tpu.dimension_semantics<arbitrary>], iteration_bounds = array<i64: 23>, scalar_prefetch = 0 : i64, scratch_operands = 0 : i64, tpu.core_type = #tpu.core_type<tc>, window_params = [{transform_indices = @transform_0, window_bounds = array<i64: 2176, 128>}, {pipeline_mode = #tpu.pipeline_mode<synchronous>, transform_indices = @transform_1, window_bounds = array<i64: 128, 64>}, {pipeline_mode = #tpu.pipeline_mode<synchronous>, transform_indices = @transform_2, window_bounds = array<i64: 1, 64>}, {transform_indices = @transform_3, window_bounds = array<i64: 2, 2176, 2>}, {transform_indices = @transform_4, window_bounds = array<i64: 2, 2176, 32>}]} {
    %get3A = arith.constant 0 : index
    %get3A_0 = arith.constant 0 : index
    %get3A_1 = arith.constant 0 : index
    %get3A_2 = vector.load %arg4[%get3A, %get3A_0, %get3A_1] : memref<2x2176x2xf32, #tpu.memory_space<vmem>>, vector<2x2176x2xf32>
    %slice3A = vector.extract_strided_slice %get3A_2 {offsets = [0, 0, 0], sizes = [1, 2176, 2], strides = [1, 1, 1]} : vector<2x2176x2xf32> to vector<1x2176x2xf32>
    %squeeze3A = vector.shape_cast %slice3A : vector<1x2176x2xf32> to vector<2176x2xf32>
    %slice3A_3 = vector.extract_strided_slice %get3A_2 {offsets = [1, 0, 0], sizes = [1, 2176, 2], strides = [1, 1, 1]} : vector<2x2176x2xf32> to vector<1x2176x2xf32>
    %squeeze3A_4 = vector.shape_cast %slice3A_3 : vector<1x2176x2xf32> to vector<2176x2xf32>
    %add3A = arith.addf %squeeze3A, %squeeze3A_4 : vector<2176x2xf32>
    %slice3A_5 = vector.extract_strided_slice %add3A {offsets = [0, 0], sizes = [2176, 1], strides = [1, 1]} : vector<2176x2xf32> to vector<2176x1xf32>
    %gt3A = arith.constant 0.000000e+00 : f32
    %gt3A_6 = vector.broadcast %gt3A : f32 to vector<2176x1xf32>
    %gt3A_7 = arith.cmpf ogt, %slice3A_5, %gt3A_6 : vector<2176x1xf32>
    %jit3A = arith.constant 1.000000e+00 : f32
    %broadcast_in_dim3A = vector.broadcast %jit3A : f32 to vector<2176x1xf32>
    %select_n3A = arith.select %gt3A_7, %slice3A_5, %broadcast_in_dim3A : vector<2176x1xi1>, vector<2176x1xf32>
    %rsqrt3A = math.rsqrt %select_n3A : vector<2176x1xf32>
    %get3A_8 = arith.constant 0 : index
    %get3A_9 = arith.constant 0 : index
    %get3A_10 = vector.load %arg1[%get3A_8, %get3A_9] : memref<2176x128xf32, #tpu.memory_space<vmem>>, vector<2176x128xf32>
    %get3A_11 = arith.constant 0 : index
    %get3A_12 = arith.constant 0 : index
    %get3A_13 = vector.load %arg2[%get3A_11, %get3A_12] : memref<128x64xf32, #tpu.memory_space<vmem>>, vector<128x64xf32>
    %dot_general3A = arith.constant dense<0.000000e+00> : vector<2176x64xf32>
    %dot_general3A_14 = tpu.matmul %get3A_10, %get3A_13, %dot_general3A {dimension_numbers = #tpu.dot_dimension_numbers<[1], [0], [0], [1], [0, 0, 1, 1], [], []>, transpose_lhs_hint = false} : vector<2176x128xf32>, vector<128x64xf32>, vector<2176x64xf32> -> vector<2176x64xf32>
    %get3A_15 = arith.constant 0 : index
    %get3A_16 = arith.constant 0 : index
    %get3A_17 = vector.load %arg3[%get3A_15, %get3A_16] : memref<1x64xf32, #tpu.memory_space<vmem>>, vector<1x64xf32>
    %add3A_18 = vector.broadcast %get3A_17 : vector<1x64xf32> to vector<2176x64xf32>
    %add3A_19 = arith.addf %dot_general3A_14, %add3A_18 : vector<2176x64xf32>
    %mul3A = vector.broadcast %rsqrt3A : vector<2176x1xf32> to vector<2176x64xf32>
    %mul3A_20 = arith.mulf %add3A_19, %mul3A : vector<2176x64xf32>
    %slice3A_21 = vector.extract_strided_slice %mul3A_20 {offsets = [0, 0], sizes = [2176, 32], strides = [1, 1]} : vector<2176x64xf32> to vector<2176x32xf32>
    %slice3A_22 = vector.extract_strided_slice %mul3A_20 {offsets = [0, 32], sizes = [2176, 32], strides = [1, 1]} : vector<2176x64xf32> to vector<2176x32xf32>
    %stack3A = vector.shape_cast %slice3A_21 : vector<2176x32xf32> to vector<1x2176x32xf32>
    %stack3A_23 = vector.shape_cast %slice3A_22 : vector<2176x32xf32> to vector<1x2176x32xf32>
    %stack3A_24 = tpu.concatenate %stack3A, %stack3A_23 in 0 : vector<1x2176x32xf32>, vector<1x2176x32xf32> -> vector<2x2176x32xf32>
    %convert_element_type3A = arith.truncf %stack3A_24 : vector<2x2176x32xf32> to vector<2x2176x32xbf16>
    %swap3A = arith.constant 0 : index
    %swap3A_25 = arith.constant 0 : index
    %swap3A_26 = arith.constant 0 : index
    %swap3A_27 = vector.load %arg5[%swap3A, %swap3A_25, %swap3A_26] : memref<2x2176x32xbf16, #tpu.memory_space<vmem>>, vector<2x2176x32xbf16>
    tpu.vector_store %arg5[%swap3A, %swap3A_25, %swap3A_26], %convert_element_type3A {strides = array<i32>} : memref<2x2176x32xbf16, #tpu.memory_space<vmem>>, vector<2x2176x32xbf16>,
    return
  }
  func.func @transform_0(%arg0: i32) -> (i32, i32) {
    %c0_i32 = arith.constant 0 : i32
    %c0_i32_0 = arith.constant 0 : i32
    return %arg0, %c0_i32 : i32, i32
  }
  func.func @transform_1(%arg0: i32) -> (i32, i32) {
    %c0_i32 = arith.constant 0 : i32
    %c0_i32_0 = arith.constant 0 : i32
    %c0_i32_1 = arith.constant 0 : i32
    return %c0_i32, %c0_i32_0 : i32, i32
  }
  func.func @transform_2(%arg0: i32) -> (i32, i32) {
    %c0_i32 = arith.constant 0 : i32
    %c0_i32_0 = arith.constant 0 : i32
    %c0_i32_1 = arith.constant 0 : i32
    return %c0_i32, %c0_i32_0 : i32, i32
  }
  func.func @transform_3(%arg0: i32) -> (i32, i32, i32) {
    %c0_i32 = arith.constant 0 : i32
    %c0_i32_0 = arith.constant 0 : i32
    %c0_i32_1 = arith.constant 0 : i32
    return %c0_i32, %arg0, %c0_i32_0 : i32, i32, i32
  }
  func.func @transform_4(%arg0: i32) -> (i32, i32, i32) {
    %c0_i32 = arith.constant 0 : i32
    %c0_i32_0 = arith.constant 0 : i32
    %c0_i32_1 = arith.constant 0 : i32
    return %c0_i32, %arg0, %c0_i32_0 : i32, i32, i32
  }
}

module attributes {stable_mosaic.version = 14 : i64} {
  func.func @_layer_body(%arg0: i32, %arg1: memref<2x2176x32xbf16, #tpu.memory_space<vmem>>, %arg2: memref<2x2176x2xf32, #tpu.memory_space<vmem>>, %arg3: memref<64x64xf32, #tpu.memory_space<vmem>>, %arg4: memref<1x64xf32, #tpu.memory_space<vmem>>, %arg5: memref<2x2176x32xbf16, #tpu.memory_space<vmem>>) attributes {dimension_semantics = [#tpu.dimension_semantics<arbitrary>], iteration_bounds = array<i64: 23>, scalar_prefetch = 0 : i64, scratch_operands = 0 : i64, tpu.core_type = #tpu.core_type<tc>, window_params = [{transform_indices = @transform_0, window_bounds = array<i64: 2, 2176, 32>}, {transform_indices = @transform_1, window_bounds = array<i64: 2, 2176, 2>}, {pipeline_mode = #tpu.pipeline_mode<synchronous>, transform_indices = @transform_2, window_bounds = array<i64: 64, 64>}, {pipeline_mode = #tpu.pipeline_mode<synchronous>, transform_indices = @transform_3, window_bounds = array<i64: 1, 64>}, {transform_indices = @transform_4, window_bounds = array<i64: 2, 2176, 32>}]} {
    %get3A = arith.constant 0 : index
    %get3A_0 = arith.constant 0 : index
    %get3A_1 = arith.constant 0 : index
    %get3A_2 = vector.load %arg1[%get3A, %get3A_0, %get3A_1] : memref<2x2176x32xbf16, #tpu.memory_space<vmem>>, vector<2x2176x32xbf16>
    %convert_element_type3A = arith.extf %get3A_2 : vector<2x2176x32xbf16> to vector<2x2176x32xf32>
    %slice3A = vector.extract_strided_slice %convert_element_type3A {offsets = [0, 0, 0], sizes = [1, 2176, 32], strides = [1, 1, 1]} : vector<2x2176x32xf32> to vector<1x2176x32xf32>
    %squeeze3A = vector.shape_cast %slice3A : vector<1x2176x32xf32> to vector<2176x32xf32>
    %slice3A_3 = vector.extract_strided_slice %convert_element_type3A {offsets = [1, 0, 0], sizes = [1, 2176, 32], strides = [1, 1, 1]} : vector<2x2176x32xf32> to vector<1x2176x32xf32>
    %squeeze3A_4 = vector.shape_cast %slice3A_3 : vector<1x2176x32xf32> to vector<2176x32xf32>
    %concatenate3A = tpu.concatenate %squeeze3A, %squeeze3A_4 in 1 : vector<2176x32xf32>, vector<2176x32xf32> -> vector<2176x64xf32>
    %get3A_5 = arith.constant 0 : index
    %get3A_6 = arith.constant 0 : index
    %get3A_7 = arith.constant 0 : index
    %get3A_8 = vector.load %arg2[%get3A_5, %get3A_6, %get3A_7] : memref<2x2176x2xf32, #tpu.memory_space<vmem>>, vector<2x2176x2xf32>
    %slice3A_9 = vector.extract_strided_slice %get3A_8 {offsets = [0, 0, 0], sizes = [1, 2176, 2], strides = [1, 1, 1]} : vector<2x2176x2xf32> to vector<1x2176x2xf32>
    %squeeze3A_10 = vector.shape_cast %slice3A_9 : vector<1x2176x2xf32> to vector<2176x2xf32>
    %slice3A_11 = vector.extract_strided_slice %get3A_8 {offsets = [1, 0, 0], sizes = [1, 2176, 2], strides = [1, 1, 1]} : vector<2x2176x2xf32> to vector<1x2176x2xf32>
    %squeeze3A_12 = vector.shape_cast %slice3A_11 : vector<1x2176x2xf32> to vector<2176x2xf32>
    %add3A = arith.addf %squeeze3A_10, %squeeze3A_12 : vector<2176x2xf32>
    %slice3A_13 = vector.extract_strided_slice %add3A {offsets = [0, 0], sizes = [2176, 1], strides = [1, 1]} : vector<2176x2xf32> to vector<2176x1xf32>
    %slice3A_14 = vector.extract_strided_slice %add3A {offsets = [0, 1], sizes = [2176, 1], strides = [1, 1]} : vector<2176x2xf32> to vector<2176x1xf32>
    %gt3A = arith.constant 0.000000e+00 : f32
    %gt3A_15 = vector.broadcast %gt3A : f32 to vector<2176x1xf32>
    %gt3A_16 = arith.cmpf ogt, %slice3A_13, %gt3A_15 : vector<2176x1xf32>
    %jit3A = arith.constant 1.000000e+00 : f32
    %broadcast_in_dim3A = vector.broadcast %jit3A : f32 to vector<2176x1xf32>
    %select_n3A = arith.select %gt3A_16, %slice3A_13, %broadcast_in_dim3A : vector<2176x1xi1>, vector<2176x1xf32>
    %rsqrt3A = math.rsqrt %select_n3A : vector<2176x1xf32>
    %gt3A_17 = arith.constant 0.000000e+00 : f32
    %gt3A_18 = vector.broadcast %gt3A_17 : f32 to vector<2176x1xf32>
    %gt3A_19 = arith.cmpf ogt, %slice3A_14, %gt3A_18 : vector<2176x1xf32>
    %jit3A_20 = arith.constant 1.000000e+00 : f32
    %broadcast_in_dim3A_21 = vector.broadcast %jit3A_20 : f32 to vector<2176x1xf32>
    %select_n3A_22 = arith.select %gt3A_19, %slice3A_14, %broadcast_in_dim3A_21 : vector<2176x1xi1>, vector<2176x1xf32>
    %rsqrt3A_23 = math.rsqrt %select_n3A_22 : vector<2176x1xf32>
    %mul3A = vector.broadcast %rsqrt3A_23 : vector<2176x1xf32> to vector<2176x64xf32>
    %mul3A_24 = arith.mulf %concatenate3A, %mul3A : vector<2176x64xf32>
    %get3A_25 = arith.constant 0 : index
    %get3A_26 = arith.constant 0 : index
    %get3A_27 = vector.load %arg3[%get3A_25, %get3A_26] : memref<64x64xf32, #tpu.memory_space<vmem>>, vector<64x64xf32>
    %dot_general3A = arith.constant dense<0.000000e+00> : vector<2176x64xf32>
    %dot_general3A_28 = tpu.matmul %mul3A_24, %get3A_27, %dot_general3A {dimension_numbers = #tpu.dot_dimension_numbers<[1], [0], [0], [1], [0, 0, 1, 1], [], []>, transpose_lhs_hint = false} : vector<2176x64xf32>, vector<64x64xf32>, vector<2176x64xf32> -> vector<2176x64xf32>
    %get3A_29 = arith.constant 0 : index
    %get3A_30 = arith.constant 0 : index
    %get3A_31 = vector.load %arg4[%get3A_29, %get3A_30] : memref<1x64xf32, #tpu.memory_space<vmem>>, vector<1x64xf32>
    %add3A_32 = vector.broadcast %get3A_31 : vector<1x64xf32> to vector<2176x64xf32>
    %add3A_33 = arith.addf %dot_general3A_28, %add3A_32 : vector<2176x64xf32>
    %max3A = arith.constant 0.000000e+00 : f32
    %max3A_34 = vector.broadcast %max3A : f32 to vector<2176x64xf32>
    %max3A_35 = arith.maximumf %add3A_33, %max3A_34 : vector<2176x64xf32>
    %mul3A_36 = vector.broadcast %rsqrt3A : vector<2176x1xf32> to vector<2176x64xf32>
    %mul3A_37 = arith.mulf %max3A_35, %mul3A_36 : vector<2176x64xf32>
    %slice3A_38 = vector.extract_strided_slice %mul3A_37 {offsets = [0, 0], sizes = [2176, 32], strides = [1, 1]} : vector<2176x64xf32> to vector<2176x32xf32>
    %slice3A_39 = vector.extract_strided_slice %mul3A_37 {offsets = [0, 32], sizes = [2176, 32], strides = [1, 1]} : vector<2176x64xf32> to vector<2176x32xf32>
    %stack3A = vector.shape_cast %slice3A_38 : vector<2176x32xf32> to vector<1x2176x32xf32>
    %stack3A_40 = vector.shape_cast %slice3A_39 : vector<2176x32xf32> to vector<1x2176x32xf32>
    %stack3A_41 = tpu.concatenate %stack3A, %stack3A_40 in 0 : vector<1x2176x32xf32>, vector<1x2176x32xf32> -> vector<2x2176x32xf32>
    %convert_element_type3A_42 = arith.truncf %stack3A_41 : vector<2x2176x32xf32> to vector<2x2176x32xbf16>
    %swap3A = arith.constant 0 : index
    %swap3A_43 = arith.constant 0 : index
    %swap3A_44 = arith.constant 0 : index
    %swap3A_45 = vector.load %arg5[%swap3A, %swap3A_43, %swap3A_44] : memref<2x2176x32xbf16, #tpu.memory_space<vmem>>, vector<2x2176x32xbf16>
    tpu.vector_store %arg5[%swap3A, %swap3A_43, %swap3A_44], %convert_element_type3A_42 {strides = array<i32>} : memref<2x2176x32xbf16, #tpu.memory_space<vmem>>, vector<2x2176x32xbf16>,
    return
  }
  func.func @transform_0(%arg0: i32) -> (i32, i32, i32) {
    %c0_i32 = arith.constant 0 : i32
    %c0_i32_0 = arith.constant 0 : i32
    %c0_i32_1 = arith.constant 0 : i32
    return %c0_i32, %arg0, %c0_i32_0 : i32, i32, i32
  }
  func.func @transform_1(%arg0: i32) -> (i32, i32, i32) {
    %c0_i32 = arith.constant 0 : i32
    %c0_i32_0 = arith.constant 0 : i32
    %c0_i32_1 = arith.constant 0 : i32
    return %c0_i32, %arg0, %c0_i32_0 : i32, i32, i32
  }
  func.func @transform_2(%arg0: i32) -> (i32, i32) {
    %c0_i32 = arith.constant 0 : i32
    %c0_i32_0 = arith.constant 0 : i32
    %c0_i32_1 = arith.constant 0 : i32
    return %c0_i32, %c0_i32_0 : i32, i32
  }
  func.func @transform_3(%arg0: i32) -> (i32, i32) {
    %c0_i32 = arith.constant 0 : i32
    %c0_i32_0 = arith.constant 0 : i32
    %c0_i32_1 = arith.constant 0 : i32
    return %c0_i32, %c0_i32_0 : i32, i32
  }
  func.func @transform_4(%arg0: i32) -> (i32, i32, i32) {
    %c0_i32 = arith.constant 0 : i32
    %c0_i32_0 = arith.constant 0 : i32
    %c0_i32_1 = arith.constant 0 : i32
    return %c0_i32, %arg0, %c0_i32_0 : i32, i32, i32
  }
}

module attributes {stable_mosaic.version = 14 : i64} {
  func.func @_final_body(%arg0: i32, %arg1: memref<2x2176x32xbf16, #tpu.memory_space<vmem>>, %arg2: memref<2x2176x2xf32, #tpu.memory_space<vmem>>, %arg3: memref<64x64xf32, #tpu.memory_space<vmem>>, %arg4: memref<1x64xf32, #tpu.memory_space<vmem>>, %arg5: memref<1x1x2176xi32, #tpu.memory_space<vmem>>, %arg6: memref<64x64xf32, #tpu.memory_space<vmem>>, %arg7: memref<1x64xf32, #tpu.memory_space<vmem>>, %arg8: memref<64x1xf32, #tpu.memory_space<vmem>>, %arg9: memref<1x1xf32, #tpu.memory_space<vmem>>, %arg10: memref<64x1xf32, #tpu.memory_space<vmem>>, %arg11: memref<64x64xf32, #tpu.memory_space<vmem>>) attributes {dimension_semantics = [#tpu.dimension_semantics<arbitrary>], iteration_bounds = array<i64: 23>, scalar_prefetch = 0 : i64, scratch_operands = 1 : i64, tpu.core_type = #tpu.core_type<tc>, window_params = [{transform_indices = @transform_0, window_bounds = array<i64: 2, 2176, 32>}, {transform_indices = @transform_1, window_bounds = array<i64: 2, 2176, 2>}, {pipeline_mode = #tpu.pipeline_mode<synchronous>, transform_indices = @transform_2, window_bounds = array<i64: 64, 64>}, {pipeline_mode = #tpu.pipeline_mode<synchronous>, transform_indices = @transform_3, window_bounds = array<i64: 1, 64>}, {transform_indices = @transform_4, window_bounds = array<i64: 1, 1, 2176>}, {pipeline_mode = #tpu.pipeline_mode<synchronous>, transform_indices = @transform_5, window_bounds = array<i64: 64, 64>}, {pipeline_mode = #tpu.pipeline_mode<synchronous>, transform_indices = @transform_6, window_bounds = array<i64: 1, 64>}, {pipeline_mode = #tpu.pipeline_mode<synchronous>, transform_indices = @transform_7, window_bounds = array<i64: 64, 1>}, {pipeline_mode = #tpu.pipeline_mode<synchronous>, transform_indices = @transform_8, window_bounds = array<i64: 1, 1>}, {pipeline_mode = #tpu.pipeline_mode<synchronous>, transform_indices = @transform_9, window_bounds = array<i64: 64, 1>}]} {
    %get3A = arith.constant 0 : index
    %get3A_0 = arith.constant 0 : index
    %get3A_1 = arith.constant 0 : index
    %get3A_2 = vector.load %arg1[%get3A, %get3A_0, %get3A_1] : memref<2x2176x32xbf16, #tpu.memory_space<vmem>>, vector<2x2176x32xbf16>
    %convert_element_type3A = arith.extf %get3A_2 : vector<2x2176x32xbf16> to vector<2x2176x32xf32>
    %slice3A = vector.extract_strided_slice %convert_element_type3A {offsets = [0, 0, 0], sizes = [1, 2176, 32], strides = [1, 1, 1]} : vector<2x2176x32xf32> to vector<1x2176x32xf32>
    %squeeze3A = vector.shape_cast %slice3A : vector<1x2176x32xf32> to vector<2176x32xf32>
    %slice3A_3 = vector.extract_strided_slice %convert_element_type3A {offsets = [1, 0, 0], sizes = [1, 2176, 32], strides = [1, 1, 1]} : vector<2x2176x32xf32> to vector<1x2176x32xf32>
    %squeeze3A_4 = vector.shape_cast %slice3A_3 : vector<1x2176x32xf32> to vector<2176x32xf32>
    %concatenate3A = tpu.concatenate %squeeze3A, %squeeze3A_4 in 1 : vector<2176x32xf32>, vector<2176x32xf32> -> vector<2176x64xf32>
    %get3A_5 = arith.constant 0 : index
    %get3A_6 = arith.constant 0 : index
    %get3A_7 = arith.constant 0 : index
    %get3A_8 = vector.load %arg2[%get3A_5, %get3A_6, %get3A_7] : memref<2x2176x2xf32, #tpu.memory_space<vmem>>, vector<2x2176x2xf32>
    %slice3A_9 = vector.extract_strided_slice %get3A_8 {offsets = [0, 0, 0], sizes = [1, 2176, 2], strides = [1, 1, 1]} : vector<2x2176x2xf32> to vector<1x2176x2xf32>
    %squeeze3A_10 = vector.shape_cast %slice3A_9 : vector<1x2176x2xf32> to vector<2176x2xf32>
    %slice3A_11 = vector.extract_strided_slice %get3A_8 {offsets = [1, 0, 0], sizes = [1, 2176, 2], strides = [1, 1, 1]} : vector<2x2176x2xf32> to vector<1x2176x2xf32>
    %squeeze3A_12 = vector.shape_cast %slice3A_11 : vector<1x2176x2xf32> to vector<2176x2xf32>
    %add3A = arith.addf %squeeze3A_10, %squeeze3A_12 : vector<2176x2xf32>
    %slice3A_13 = vector.extract_strided_slice %add3A {offsets = [0, 1], sizes = [2176, 1], strides = [1, 1]} : vector<2176x2xf32> to vector<2176x1xf32>
    %gt3A = arith.constant 0.000000e+00 : f32
    %gt3A_14 = vector.broadcast %gt3A : f32 to vector<2176x1xf32>
    %gt3A_15 = arith.cmpf ogt, %slice3A_13, %gt3A_14 : vector<2176x1xf32>
    %jit3A = arith.constant 1.000000e+00 : f32
    %broadcast_in_dim3A = vector.broadcast %jit3A : f32 to vector<2176x1xf32>
    %select_n3A = arith.select %gt3A_15, %slice3A_13, %broadcast_in_dim3A : vector<2176x1xi1>, vector<2176x1xf32>
    %rsqrt3A = math.rsqrt %select_n3A : vector<2176x1xf32>
    %mul3A = vector.broadcast %rsqrt3A : vector<2176x1xf32> to vector<2176x64xf32>
    %mul3A_16 = arith.mulf %concatenate3A, %mul3A : vector<2176x64xf32>
    %get3A_17 = arith.constant 0 : index
    %get3A_18 = arith.constant 0 : index
    %get3A_19 = vector.load %arg3[%get3A_17, %get3A_18] : memref<64x64xf32, #tpu.memory_space<vmem>>, vector<64x64xf32>
    %dot_general3A = arith.constant dense<0.000000e+00> : vector<2176x64xf32>
    %dot_general3A_20 = tpu.matmul %mul3A_16, %get3A_19, %dot_general3A {dimension_numbers = #tpu.dot_dimension_numbers<[1], [0], [0], [1], [0, 0, 1, 1], [], []>, transpose_lhs_hint = false} : vector<2176x64xf32>, vector<64x64xf32>, vector<2176x64xf32> -> vector<2176x64xf32>
    %get3A_21 = arith.constant 0 : index
    %get3A_22 = arith.constant 0 : index
    %get3A_23 = vector.load %arg4[%get3A_21, %get3A_22] : memref<1x64xf32, #tpu.memory_space<vmem>>, vector<1x64xf32>
    %add3A_24 = vector.broadcast %get3A_23 : vector<1x64xf32> to vector<2176x64xf32>
    %add3A_25 = arith.addf %dot_general3A_20, %add3A_24 : vector<2176x64xf32>
    %max3A = arith.constant 0.000000e+00 : f32
    %max3A_26 = vector.broadcast %max3A : f32 to vector<2176x64xf32>
    %max3A_27 = arith.maximumf %add3A_25, %max3A_26 : vector<2176x64xf32>
    %get3A_28 = arith.constant 0 : index
    %get3A_29 = arith.constant 0 : index
    %get3A_30 = arith.constant 0 : index
    %get3A_31 = vector.load %arg5[%get3A_28, %get3A_29, %get3A_30] : memref<1x1x2176xi32, #tpu.memory_space<vmem>>, vector<1x1x2176xi32>
    %get3A_32 = vector.shape_cast %get3A_31 : vector<1x1x2176xi32> to vector<2176xi32>
    %broadcast_in_dim3A_33 = vector.shape_cast %get3A_32 : vector<2176xi32> to vector<2176x1xi32>
    %iota3A = tpu.iota {dimensions = array<i32: 1>} : vector<2176x64xi32>
    %eq3A = vector.broadcast %broadcast_in_dim3A_33 : vector<2176x1xi32> to vector<2176x64xi32>
    %eq3A_34 = arith.cmpi eq, %eq3A, %iota3A : vector<2176x64xi32>
    %convert_element_type3A_35 = arith.extui %eq3A_34 : vector<2176x64xi1> to vector<2176x64xi32>
    %convert_element_type3A_36 = arith.sitofp %convert_element_type3A_35 : vector<2176x64xi32> to vector<2176x64xf32>
    %dot_general3A_37 = arith.constant dense<0.000000e+00> : vector<64x64xf32>
    %dot_general3A_38 = tpu.matmul %convert_element_type3A_36, %max3A_27, %dot_general3A_37 {dimension_numbers = #tpu.dot_dimension_numbers<[0], [0], [1], [1], [0, 1, 1, 1], [], []>, transpose_lhs_hint = false} : vector<2176x64xf32>, vector<2176x64xf32>, vector<64x64xf32> -> vector<64x64xf32>
    %eq3A_39 = arith.constant 0 : i32
    %eq3A_40 = arith.cmpi eq, %arg0, %eq3A_39 : i32
    %convert_element_type3A_41 = arith.extui %eq3A_40 : i1 to i32
    %cond3A = arith.constant 0 : i32
    %cond3A_42 = arith.cmpi ne, %convert_element_type3A_41, %cond3A : i32
    scf.if %cond3A_42 {
      %swap3A = arith.constant 0 : index
      %swap3A_53 = arith.constant 0 : index
      %swap3A_54 = vector.load %arg11[%swap3A, %swap3A_53] : memref<64x64xf32, #tpu.memory_space<vmem>>, vector<64x64xf32>
      tpu.vector_store %arg11[%swap3A, %swap3A_53], %dot_general3A_38 {strides = array<i32>} : memref<64x64xf32, #tpu.memory_space<vmem>>, vector<64x64xf32>,
    } else {
    }
    %gt3A_43 = arith.constant 0 : i32
    %gt3A_44 = arith.cmpi sgt, %arg0, %gt3A_43 : i32
    %convert_element_type3A_45 = arith.extui %gt3A_44 : i1 to i32
    %cond3A_46 = arith.constant 0 : i32
    %cond3A_47 = arith.cmpi ne, %convert_element_type3A_45, %cond3A_46 : i32
    scf.if %cond3A_47 {
      %get3A_53 = arith.constant 0 : index
      %get3A_54 = arith.constant 0 : index
      %get3A_55 = vector.load %arg11[%get3A_53, %get3A_54] : memref<64x64xf32, #tpu.memory_space<vmem>>, vector<64x64xf32>
      %add3A_56 = arith.addf %get3A_55, %dot_general3A_38 : vector<64x64xf32>
      %swap3A = arith.constant 0 : index
      %swap3A_57 = arith.constant 0 : index
      %swap3A_58 = vector.load %arg11[%swap3A, %swap3A_57] : memref<64x64xf32, #tpu.memory_space<vmem>>, vector<64x64xf32>
      tpu.vector_store %arg11[%swap3A, %swap3A_57], %add3A_56 {strides = array<i32>} : memref<64x64xf32, #tpu.memory_space<vmem>>, vector<64x64xf32>,
    } else {
    }
    %eq3A_48 = arith.constant 22 : i32
    %eq3A_49 = arith.cmpi eq, %arg0, %eq3A_48 : i32
    %convert_element_type3A_50 = arith.extui %eq3A_49 : i1 to i32
    %cond3A_51 = arith.constant 0 : i32
    %cond3A_52 = arith.cmpi ne, %convert_element_type3A_50, %cond3A_51 : i32
    scf.if %cond3A_52 {
      %get3A_53 = arith.constant 0 : index
      %get3A_54 = arith.constant 0 : index
      %get3A_55 = vector.load %arg11[%get3A_53, %get3A_54] : memref<64x64xf32, #tpu.memory_space<vmem>>, vector<64x64xf32>
      %get3A_56 = arith.constant 0 : index
      %get3A_57 = arith.constant 0 : index
      %get3A_58 = vector.load %arg6[%get3A_56, %get3A_57] : memref<64x64xf32, #tpu.memory_space<vmem>>, vector<64x64xf32>
      %dot_general3A_59 = arith.constant dense<0.000000e+00> : vector<64x64xf32>
      %dot_general3A_60 = tpu.matmul %get3A_55, %get3A_58, %dot_general3A_59 {dimension_numbers = #tpu.dot_dimension_numbers<[1], [0], [0], [1], [0, 0, 1, 1], [], []>, transpose_lhs_hint = false} : vector<64x64xf32>, vector<64x64xf32>, vector<64x64xf32> -> vector<64x64xf32>
      %get3A_61 = arith.constant 0 : index
      %get3A_62 = arith.constant 0 : index
      %get3A_63 = vector.load %arg7[%get3A_61, %get3A_62] : memref<1x64xf32, #tpu.memory_space<vmem>>, vector<1x64xf32>
      %add3A_64 = vector.broadcast %get3A_63 : vector<1x64xf32> to vector<64x64xf32>
      %add3A_65 = arith.addf %dot_general3A_60, %add3A_64 : vector<64x64xf32>
      %max3A_66 = arith.constant 0.000000e+00 : f32
      %max3A_67 = vector.broadcast %max3A_66 : f32 to vector<64x64xf32>
      %max3A_68 = arith.maximumf %add3A_65, %max3A_67 : vector<64x64xf32>
      %get3A_69 = arith.constant 0 : index
      %get3A_70 = arith.constant 0 : index
      %get3A_71 = vector.load %arg8[%get3A_69, %get3A_70] : memref<64x1xf32, #tpu.memory_space<vmem>>, vector<64x1xf32>
      %dot_general3A_72 = arith.constant dense<0.000000e+00> : vector<64x1xf32>
      %dot_general3A_73 = tpu.matmul %max3A_68, %get3A_71, %dot_general3A_72 {dimension_numbers = #tpu.dot_dimension_numbers<[1], [0], [0], [1], [0, 0, 1, 1], [], []>, transpose_lhs_hint = false} : vector<64x64xf32>, vector<64x1xf32>, vector<64x1xf32> -> vector<64x1xf32>
      %get3A_74 = arith.constant 0 : index
      %get3A_75 = arith.constant 0 : index
      %get3A_76 = vector.load %arg9[%get3A_74, %get3A_75] : memref<1x1xf32, #tpu.memory_space<vmem>>, vector<1x1xf32>
      %add3A_77 = vector.broadcast %get3A_76 : vector<1x1xf32> to vector<64x1xf32>
      %add3A_78 = arith.addf %dot_general3A_73, %add3A_77 : vector<64x1xf32>
      %swap3A = arith.constant 0 : index
      %swap3A_79 = arith.constant 0 : index
      %swap3A_80 = vector.load %arg10[%swap3A, %swap3A_79] : memref<64x1xf32, #tpu.memory_space<vmem>>, vector<64x1xf32>
      tpu.vector_store %arg10[%swap3A, %swap3A_79], %add3A_78 {strides = array<i32>} : memref<64x1xf32, #tpu.memory_space<vmem>>, vector<64x1xf32>,
    } else {
    }
    return
  }
  func.func @transform_0(%arg0: i32) -> (i32, i32, i32) {
    %c0_i32 = arith.constant 0 : i32
    %c0_i32_0 = arith.constant 0 : i32
    %c0_i32_1 = arith.constant 0 : i32
    return %c0_i32, %arg0, %c0_i32_0 : i32, i32, i32
  }
  func.func @transform_1(%arg0: i32) -> (i32, i32, i32) {
    %c0_i32 = arith.constant 0 : i32
    %c0_i32_0 = arith.constant 0 : i32
    %c0_i32_1 = arith.constant 0 : i32
    return %c0_i32, %arg0, %c0_i32_0 : i32, i32, i32
  }
  func.func @transform_2(%arg0: i32) -> (i32, i32) {
    %c0_i32 = arith.constant 0 : i32
    %c0_i32_0 = arith.constant 0 : i32
    %c0_i32_1 = arith.constant 0 : i32
    return %c0_i32, %c0_i32_0 : i32, i32
  }
  func.func @transform_3(%arg0: i32) -> (i32, i32) {
    %c0_i32 = arith.constant 0 : i32
    %c0_i32_0 = arith.constant 0 : i32
    %c0_i32_1 = arith.constant 0 : i32
    return %c0_i32, %c0_i32_0 : i32, i32
  }
  func.func @transform_4(%arg0: i32) -> (i32, i32, i32) {
    %c0_i32 = arith.constant 0 : i32
    %c0_i32_0 = arith.constant 0 : i32
    %c0_i32_1 = arith.constant 0 : i32
    return %arg0, %c0_i32, %c0_i32_0 : i32, i32, i32
  }
  func.func @transform_5(%arg0: i32) -> (i32, i32) {
    %c0_i32 = arith.constant 0 : i32
    %c0_i32_0 = arith.constant 0 : i32
    %c0_i32_1 = arith.constant 0 : i32
    return %c0_i32, %c0_i32_0 : i32, i32
  }
  func.func @transform_6(%arg0: i32) -> (i32, i32) {
    %c0_i32 = arith.constant 0 : i32
    %c0_i32_0 = arith.constant 0 : i32
    %c0_i32_1 = arith.constant 0 : i32
    return %c0_i32, %c0_i32_0 : i32, i32
  }
  func.func @transform_7(%arg0: i32) -> (i32, i32) {
    %c0_i32 = arith.constant 0 : i32
    %c0_i32_0 = arith.constant 0 : i32
    %c0_i32_1 = arith.constant 0 : i32
    return %c0_i32, %c0_i32_0 : i32, i32
  }
  func.func @transform_8(%arg0: i32) -> (i32, i32) {
    %c0_i32 = arith.constant 0 : i32
    %c0_i32_0 = arith.constant 0 : i32
    %c0_i32_1 = arith.constant 0 : i32
    return %c0_i32, %c0_i32_0 : i32, i32
  }
  func.func @transform_9(%arg0: i32) -> (i32, i32) {
    %c0_i32 = arith.constant 0 : i32
    %c0_i32_0 = arith.constant 0 : i32
    %c0_i32_1 = arith.constant 0 : i32
    return %c0_i32, %c0_i32_0 : i32, i32
  }
}

</mosaic_0001>

<sc_bundles>
// kernel: closed_call.11.cloned.1.call-start
scs
__scs_entry_jumppad:
0x0: {  	(pc) =	sbr.rel $0x88, $3  }
0x1: {  	(tag) =	ssettag $0x0;
	lr =	simm.s32 $0x1  }
0x2: {  	[smem:$0x3F96] =	sst lr;
	_ =	strace $0xD0000000  }
0x3: {  	_ = 	snop  }
0x4: {  	_ = 	snop  }
0x5: {  	_ = 	snop  }
0x6: {  	_ = 	snop  }
0x7: {  	_ = 	snop  }
__scs_overlays_trampoline_lowered:
0x8: {  	[smem:$0x3FA5] =	sst s0  }
0x9: {  	[smem:$0x3FA6] =	sst s1  }
0xa: {  	[smem:$0x3FA7] =	sst s2  }
0xb: {  	[smem:$0x3FA8] =	sst s3  }
0xc: {  	[smem:$0x3FA9] =	sst s4  }
0xd: {  	[smem:$0x3FAA] =	sst s5  }
0xe: {  	[smem:$0x3FAB] =	sst s6  }
0xf: {  	[smem:$0x3FAC] =	sst s7  }
0x10: {  	[smem:$0x3FAD] =	sst s8  }
0x11: {  	[smem:$0x3FAE] =	sst s9;
	s0 =	simm.s32 @!p0 $0x0  }
0x12: {  	s1 =	sld [smem:$0x3F94];
	s0 =	simm.s32 @p0 $0x1  }
0x13: {  	[smem:$0x3FAF] =	sst s0;
	s0 =	simm.s32 @!p1 $0x0  }
0x14: {  	s2 =	sld [smem:$0x3F93];
	s0 =	simm.s32 @p1 $0x1  }
0x15: {  	[smem:$0x3FB0] =	sst s0;
	s0 =	simm.s32 @!p2 $0x0  }
0x16: {  	s3 =	sld [smem:$0x3FDB];
	s0 =	simm.s32 @p2 $0x1  }
0x17: {  	s4 =	simm.s32 $0x1BF5;
	[smem:$0x3FB2] =	sst s0  }
0x18: {  	s0 =	sld [smem:$0x3F95];
	_ =	swait.ge [sflag:s4], $0x0  }
0x19: {  	s7 =	sld [smem:$0x3F96]  }
0x1a: {  	s8 =	sadd.s32 $0xFFFFE003, lr  }
0x1b: {  	s9 =	sadd.s32 $0xFFFFFEF7, lr;
	s5 =	simm.s32 $0xFFFFFFFF;
	p2 =	slt.u32 s8, $0xFFFFF086  }
0x1c: {  	p1 =	slt.u32 s9, $0xF7A;
	s5 =	simm.s32 @!p2 $0x0  }
0x1d: {  	s5 =	simm.s32 @p1 $0x1;
	p0 =	seq.s32 s7, s2  }
0x1e: {  	s7 =	smul.u32 @!p0 $0xF7A, s2;
	p2 =	seq.s32 @!p0 s5, $0x0  }
0x1f: {  	s9 =	smul.u32 $0xF7A, s1;
	s8 =	simm.s32 @!p0 $0x1BF5;
	p2 =	por !p2, p0  }
0x20: {  	[sflag:s8] =	ssyncset.s32 @!p0 $0xFFFFF086;
	s6 =	sadd.s32 @!p0 s3, s7;
	s7 =	simm.s32 @!p0 $0x108  }
0x21: {  	s3 =	sadd.s32 s3, s9;
	s6 =	sadd.s32 @!p0 $0x88, s6;
	s7 =	simm.s32 @p2 $0x1082  }
0x22: {  	[simem:s7], [sflag:s8] =	dma.local @!p0 [hbm:s6], $0xF7A  }
0x23: {  	s9 =	sor.u32 $0xD0000000, s2;
	s6 =	simm.s32 $0x108;
	_ =	swait.ge @!p0 [sflag:s8], $0x0  }
0x24: {  	s3 =	sadd.s32 $0x88, s3;
	s6 =	simm.s32 @!p1 $0x1082;
	[sflag:s4] =	ssyncset.s32 $0xFFFFF086  }
0x25: {  	[simem:s6], [sflag:s4] =	dma.local [hbm:s3], $0xF7A  }
0x26: {  	[smem:$0x3F96] =	sst s1;
	(tag) =	ssettag s2;
	_ =	strace s9  }
0x27: {  	s1 =	sld [smem:$0x3FA6]  }
0x28: {  	s2 =	sld [smem:$0x3FA7]  }
0x29: {  	s4 =	sld [smem:$0x3FA9]  }
0x2a: {  	p0 =	seq.s32 s5, $0x0;
	s5 =	sld [smem:$0x3FAA]  }
0x2b: {  	s6 =	sld [smem:$0x3FAB]  }
0x2c: {  	s7 =	sld [smem:$0x3FAC]  }
0x2d: {  	s3 =	simm.s32 $0x108;
	s8 =	sld [smem:$0x3FAD]  }
0x2e: {  	s3 =	simm.s32 @!p0 $0x1082;
	s9 =	sld [smem:$0x3FAE]  }
0x2f: {  	lr =	sadd.s32 s0, s3;
	s0 =	sld [smem:$0x3FA5]  }
0x30: {  	s3 =	sld [smem:$0x3FA8]  }
0x31: {  	[smem:$0x3FB1] =	sst s10  }
0x32: {  	s10 =	sld [smem:$0x3FAF];
	_ =	sdelay $0x3  }
0x33: {  	p0 =	seq.s32 s10, $0x1;
	s10 =	sld [smem:$0x3FB1];
	_ =	sdelay $0x3  }
0x34: {  	[smem:$0x3FB1] =	sst s10  }
0x35: {  	s10 =	sld [smem:$0x3FB0];
	_ =	sdelay $0x3  }
0x36: {  	p1 =	seq.s32 s10, $0x1;
	s10 =	sld [smem:$0x3FB1];
	_ =	sdelay $0x3  }
0x37: {  	[smem:$0x3FB1] =	sst s10  }
0x38: {  	s10 =	sld [smem:$0x3FB2]  }
0x39: {  	_ = 	snop;
	(pc) =	sbr.ind lr, $3  }
0x3a: {  	_ = 	snop  }
0x3b: {  	_ = 	snop  }
0x3c: {  	p2 =	seq.s32 s10, $0x1;
	s10 =	sld [smem:$0x3FB1]  }
0x3d: {  	_ =	shalt  }
0x3e: {  	_ =	shalt  }
0x3f: {  	_ =	shalt  }
0x40: {  	_ =	shalt  }
0x41: {  	_ =	shalt  }
0x42: {  	_ =	shalt  }
0x43: {  	_ =	shalt  }
0x44: {  	_ =	shalt  }
0x45: {  	_ =	shalt  }
0x46: {  	_ =	shalt  }
0x47: {  	_ =	shalt  }
0x48: {  	_ =	shalt  }
0x49: {  	_ =	shalt  }
0x4a: {  	_ =	shalt  }
0x4b: {  	_ =	shalt  }
0x4c: {  	_ =	shalt  }
0x4d: {  	_ =	shalt  }
0x4e: {  	_ =	shalt  }
0x4f: {  	_ =	shalt  }
0x50: {  	_ =	shalt  }
0x51: {  	_ =	shalt  }
0x52: {  	_ =	shalt  }
0x53: {  	_ =	shalt  }
0x54: {  	_ =	shalt  }
0x55: {  	_ =	shalt  }
0x56: {  	_ =	shalt  }
0x57: {  	_ =	shalt  }
0x58: {  	_ =	shalt  }
0x59: {  	_ =	shalt  }
0x5a: {  	_ =	shalt  }
0x5b: {  	_ =	shalt  }
0x5c: {  	_ =	shalt  }
0x5d: {  	_ =	shalt  }
0x5e: {  	_ =	shalt  }
0x5f: {  	_ =	shalt  }
0x60: {  	_ =	shalt  }
0x61: {  	_ =	shalt  }
0x62: {  	_ =	shalt  }
0x63: {  	_ =	shalt  }
0x64: {  	_ =	shalt  }
0x65: {  	_ =	shalt  }
0x66: {  	_ =	shalt  }
0x67: {  	_ =	shalt  }
0x68: {  	_ =	shalt  }
0x69: {  	_ =	shalt  }
0x6a: {  	_ =	shalt  }
0x6b: {  	_ =	shalt  }
0x6c: {  	_ =	shalt  }
0x6d: {  	_ =	shalt  }
0x6e: {  	_ =	shalt  }
0x6f: {  	_ =	shalt  }
0x70: {  	_ =	shalt  }
0x71: {  	_ =	shalt  }
0x72: {  	_ =	shalt  }
0x73: {  	_ =	shalt  }
0x74: {  	_ =	shalt  }
0x75: {  	_ =	shalt  }
0x76: {  	_ =	shalt  }
0x77: {  	_ =	shalt  }
0x78: {  	_ =	shalt  }
0x79: {  	_ =	shalt  }
0x7a: {  	_ =	shalt  }
0x7b: {  	_ =	shalt  }
0x7c: {  	_ =	shalt  }
0x7d: {  	_ =	shalt  }
0x7e: {  	_ =	shalt  }
0x7f: {  	_ =	shalt  }
0x80: {  	_ =	shalt  }
0x81: {  	_ =	shalt  }
0x82: {  	_ =	shalt  }
0x83: {  	_ =	shalt  }
0x84: {  	_ =	shalt  }
0x85: {  	_ =	shalt  }
0x86: {  	_ =	shalt  }
0x87: {  	_ =	shalt  }
.Lfunc_end0:
.L_simem_size_0:
called_computation_lowered:
.L_overlay_start_0:
0x88: {  	s2 =	sld [smem:$0x3FD9]  }
0x89: {  	s3 =	sld [smem:$0x3FFE];
	_ =	sdelay $0x1  }
0x8a: {  	s1 =	srdreg.scid  }
0x8b: {  	s0 =	sand.u32 $0x1, s1  }
0x8c: {  	s16 =	sshll.u32 s0, $0xA;
	s2 =	sadd.s32 s3, s2  }
0x8d: {  	s2 =	sadd.s32 s2, s16  }
0x8e: {  	[smem:$0x3FBD] =	sst s2  }
0x8f: {  	_ = 	snop  }
0x90: {  	(tm) =	ssettm $0x1  }
0x91: {  	s17 =	sld [smem:$0x3FFB];
	_ =	sdelay $0x3  }
0x92: {  	_ =	strace s17  }
0x93: {  	s2 =	sld [smem:$0x3FFC];
	_ =	sdelay $0x3  }
0x94: {  	_ =	strace s2  }
0x95: {  	s2 =	sld [smem:$0x3FFD];
	_ =	sdelay $0x3  }
0x96: {  	_ =	strace s2  }
0x97: {  	_ =	strace $0x8FFFFFFF  }
0x98: {  	s18 =	sld [smem:$0x3FDB];
	_ =	sdelay $0x1  }
0x99: {  	s19 =	simm.s32 $_scs_section_size  }
0x9a: {  	s4 =	simm.s32 $_size__tile_overlayer_lowered;
	s5 =	simm.s32 $_tile_overlayer_lowered  }
0x9b: {  	s22 =	simm.s32 $0x1BFF;
	s21 =	sshll.u32 s5, $0x1;
	s2 =	sadd.s32 s19, s18  }
0x9c: {  	s6 =	simm.s32 $0x0;
	s20 =	sshll.u32 s4, $0x1;
	s4 =	sadd.s32 s21, s2  }
0x9d: {  	[timem:s6], [sflag:s22] =	dma.local [hbm:s4], s20  }
0x9e: {  	_ =	swait.ge [sflag:s22], s20  }
0x9f: {  	s3 =	ssub.s32 $0x0, s20;
	[sflag:s22] =	ssyncset.done $0x0  }
0xa0: {  	[sflag:s22] =	ssyncadd.s32 s3;
	_ =	sdelay $0x1  }
0xa1: {  	s23 =	simm.s32 $0x1B8B  }
0xa2: {  	_ =	swait.ge [sflag:s23], $0x1  }
0xa3: {  	[sflag:s23] =	ssyncset.done $0x0  }
0xa4: {  	s25 =	simm.s32 $0x1B8E;
	s24 =	sld [smem:$0x3FFE];
	[sflag:s23] =	ssyncadd.s32 $0xFFFFFFFF  }
0xa5: {  	s26 =	simm.s32 $execute0_lowered;
	[smem:$0x3FD2] =	sst s25  }
0xa6: {  	s4 =	sshll.u32 s26, $0x1;
	_ =	strace $0x80000049;
	[dreg:$0x1] =	wrdreg $0xFFFFFFFF  }
0xa7: {  	s28 =	simm.s32 $_size_execute0_lowered;
	s2 =	sadd.s32 s2, s4;
	[dreg:$0x0] =	wrdreg $0x0  }
0xa8: {  	s4 =	sshll.u32 s28, $0x1;
	[dreg:$0x2] =	wrdreg s2  }
0xa9: {  	[dreg:$0x3] =	wrdreg s4  }
0xaa: {  	[dreg:$0x4] =	wrdreg $0xC0  }
0xab: {  	_ =	task [dreg:s6], $0x5FFFF  }
0xac: {  	[dreg:$0x1] =	wrdreg $0xFFFFFFFF  }
0xad: {  	[dreg:$0x0] =	wrdreg $0x60  }
0xae: {  	[dreg:$0x2] =	wrdreg s24  }
0xaf: {  	[dreg:$0x3] =	wrdreg $0xC4000  }
0xb0: {  	[dreg:$0x4] =	wrdreg $0x9  }
0xb1: {  	_ =	task.clear_ibuf [dreg:s6], $0x5FFFF;
	_ =	strace $0x90000049  }
0xb2: {  	s29 =	simm.s32 $0x9;
	_ =	strace $0x8000004B  }
0xb3: {  	_ =	swait.ge [sflag:s29], $0x1  }
0xb4: {  	[sflag:s29] =	ssyncadd.s32 $0xFFFFFFFF  }
0xb5: {  	_ =	strace $0x9000004B  }
0xb6: {  	_ =	sfence  }
0xb7: {  	s30 =	sld [smem:$0x0];
	_ =	sdelay $0x2  }
0xb8: {  	s31 =	sshll.u32 s1, $0xD;
	s1 =	sshrl.u32 s1, $0x2  }
0xb9: {  	s3 =	sand.u32 $0x4000, s31;
	s1 =	sadd.s32 s1, s30  }
0xba: {  	s0 =	sor.u32 s3, s0;
	s1 =	sshll.u32 s1, $0x11  }
0xbb: {  	s0 =	sor.u32 s1, s0  }
0xbc: {  	s0 =	sadd.s32 $0x8F2B, s0  }
0xbd: {  	[sflag:s0] =	ssyncadd.remote.s32 $0x1  }
0xbe: {  	_ =	sfence.sel $0xFFFF  }
0xbf: {  	[dreg:$0x0] =	wrdreg $0xFFFFFFFF;
	(pc) =	sbr.abs _section_cstart, $3  }
0xc0: {  	[dreg:$0x1] =	wrdreg $0xFFFFFFFF  }
0xc1: {  	_ =	task.clear_ibuf [dreg:s6], $0x2FFFF;
	_ =	strace $0x9FFFFFFF  }
0xc2: {  	(tm) =	ssettm $0x7FFFFFFF  }
0xc3: {  	_ =	shalt  }
tec
execute0_lowered:
.L_overlay_start_1:
0x0: {  	(tag) =	ssettag $0x1  }
0x1: {  	s0 =	rddreg [dreg:$0x0]  }
0x2: {  	s2 =	rddreg [dreg:$0x1];
	s1 =	srdreg.scid  }
0x3: {  	s3 =	stileid.u32;
	s11 =	simm.s32 $0x0;
	s14 =	simm.s32 $0x19  }
0x4: {  	s15 =	simm.s32 $0x80;
	s17 =	simm.s32 $0x6C00;
	s18 =	simm.s32 $0x100  }
0x5: {  	s19 =	simm.s32 $0x7400;
	s20 =	simm.s32 $0x180;
	s21 =	simm.s32 $0x7C00  }
0x6: {  	s22 =	simm.s32 $0x200;
	s23 =	simm.s32 $0x8400;
	s24 =	simm.s32 $0x280  }
0x7: {  	s28 =	simm.s32 $0x18;
	s29 =	simm.s32 $0xD;
	s30 =	simm.s32 $0xE  }
0x8: {  	s31 =	simm.s32 $0xF;
	s1 =	sand.u32 $0x1, s1;
	s7 =	smul.u32 $0x18700, s3  }
0x9: {  	[smem:$0x7FF] =	sst s11;
	s4 =	sadd.s32 $0x12AA00, s0;
	s5 =	sadd.s32 $0x25800, s0  }
0xa: {  	s12 =	sadd.s32 $0x57800, s0;
	s25 =	sshll.u32 s3, $0x6;
	s6 =	smul.u32 $0x187000, s1  }
0xb: {  	_ =	strace $0x8000004A;
	s9 =	ssub.s32 $0x2, s1;
	[dreg:$0x4] =	wrdreg s12  }
0xc: {  	s10 =	sshrl.u32 s9, $0x1;
	s8 =	sadd.s32 s7, s6;
	s6 =	sadd.s32 $0x1EE200, s0  }
0xd: {  	s9 =	ssub.s32 s9, s10;
	s7 =	sshrl.u32 s7, $0x1;
	s8 =	sshrl.u32 s8, $0x4  }
0xe: {  	s7 =	sadd.s32 s7, s2;
	s26 =	smax.u32 s9, $0x1;
	s0 =	sadd.s32 s8, s0  }
0xf: {  	s8 =	smul.u32 $0x190, s3;
	s3 =	sor.u32 $0x1C19, s25;
	[dreg:$0x7] =	wrdreg s26  }
0x10: {  	s10 =	smul.u32 $0xC8000, s1;
	s7 =	sshrl.u32 s7, $0x3;
	[dreg:$0x5] =	wrdreg s3  }
0x11: {  	s25 =	simm.s32 $0x8C00;
	s0 =	sadd.s32 $0x15B800, s0;
	[dreg:$0x8] =	wrdreg s7  }
0x12: {  	s26 =	simm.s32 $0x17;
	[dreg:$0x6] =	wrdreg s0;
	s0 =	simm.s32 $0x10  }
.LBB2_1:
0x13: {  	[dreg:$0x3] =	wrdreg s11  }
0x14: {  	s1 =	rddreg [dreg:$0x4]  }
0x15: {  	[spmem:s7], [sflag:s3] =	dma.local [hbm:s1], $0x1870  }
0x16: {  	_ =	swait.ge [sflag:s14], $0x1870  }
0x17: {  	[sflag:s14] =	ssyncset.done $0x0  }
0x18: {  	[sflag:s14] =	ssyncadd.s32 $0xFFFFE790  }
0x19: {  	s1 =	simm.s32 $0x0;
	[bflag:$0x0] =	sbarrier.arrive $0xFFFF  }
.LBB2_2:
0x1a: {  	s7 =	smul.u32 $0x64, s1;
	_ =	sdelay $0x1  }
0x1b: {  	s9 =	sadd.s32 s8, s7  }
0x1c: {  	s7 =	sshll.u32 s9, $0x7  }
0x1d: {  	s7 =	sadd.s32 s10, s7  }
0x1e: {  	s7 =	sshrl.u32 s7, $0x3  }
0x1f: {  	s11 =	sadd.s32 s5, s7;
	s7 =	simm.s32 $0x0  }
0x20: {  	[tilespmem:s7], [sflag:$0x19] =	stream.linear.gather [hbm4b:s11+s7], $0x3200, $0x38;
	[tilespmem:$0x18780] =	vst v63  }
0x21: {  	_ =	swait.ge [sflag:s14], $0x3200  }
0x22: {  	s9 =	sshll.u32 s9, $0x4;
	[sflag:s14] =	ssyncset.done $0x0  }
0x23: {  	s9 =	sadd.s32 s6, s9;
	s11 =	simm.s32 $0x3200;
	[sflag:s14] =	ssyncadd.s32 $0xFFFFCE00  }
0x24: {  	[tilespmem:s11], [sflag:$0x19] =	stream.linear.gather [hbm4b:s9+s7], $0x3200, $0x38;
	[tilespmem:$0x18780] =	vst v63  }
0x25: {  	_ =	swait.ge [sflag:s14], $0x3200  }
0x26: {  	[sflag:s14] =	ssyncset.done $0x0  }
0x27: {  	s3 =	simm.s32 $0x6400;
	[sflag:s14] =	ssyncadd.s32 $0xFFFFCE00  }
0x28: {  	[tilespmem:s3], [sflag:$0x1] =	stream.indirect.gather [hbm4b:s4+s15], $0x10, s7, s15, $0xb8;
	[tilespmem:$0x18780] =	vst v63  }
0x29: {  	_ = 	snop  }
0x2a: {  	[tilespmem:s17], [sflag:$0x2] =	stream.indirect.gather [hbm4b:s4+s15], $0x10, s15, s15, $0xb8;
	[tilespmem:$0x18780] =	vst v63  }
0x2b: {  	_ = 	snop  }
0x2c: {  	[tilespmem:s19], [sflag:$0x3] =	stream.indirect.gather [hbm4b:s4+s15], $0x10, s18, s15, $0xb8;
	[tilespmem:$0x18780] =	vst v63  }
0x2d: {  	_ = 	snop  }
0x2e: {  	[tilespmem:s21], [sflag:$0x4] =	stream.indirect.gather [hbm4b:s4+s15], $0x10, s20, s15, $0xb8;
	[tilespmem:$0x18780] =	vst v63  }
0x2f: {  	_ = 	snop  }
0x30: {  	[tilespmem:s23], [sflag:$0x5] =	stream.indirect.gather [hbm4b:s4+s15], $0x10, s22, s15, $0xb8;
	[tilespmem:$0x18780] =	vst v63  }
0x31: {  	s12 =	simm.s32 $0x300  }
0x32: {  	[tilespmem:s25], [sflag:$0x6] =	stream.indirect.gather [hbm4b:s4+s15], $0x10, s24, s15, $0xb8;
	[tilespmem:$0x18780] =	vst v63  }
.LBB2_3:
0x33: {  	s9 =	smul.u32 $0xAB, s7;
	_ =	sdelay $0x1  }
0x34: {  	s13 =	sshrl.u32 s9, $0xB  }
0x35: {  	s13 =	sand.u32 $0x1F, s13  }
0x36: {  	s13 =	smul.u32 $0xC, s13;
	_ =	sdelay $0x1  }
0x37: {  	s13 =	ssub.s32 s7, s13  }
0x38: {  	s9 =	sadd.s32 $0x402, s9;
	s13 =	sand.u32 $0xFF, s13  }
0x39: {  	s9 =	sshrl.u32 s9, $0xB;
	s3 =	sadd.s32 $0x1, s13  }
0x3a: {  	s9 =	sand.u32 $0x1F, s9;
	_ =	swait.ge [sflag:s3], $0x800  }
0x3b: {  	s9 =	smul.u32 $0xC, s9;
	s16 =	sshll.u32 s13, $0xB;
	[sflag:s3] =	ssyncset.done $0x0  }
0x3c: {  	s13 =	sadd.s32 $0xD, s13;
	s16 =	sadd.s32 $0x6400, s16;
	[sflag:s3] =	ssyncadd.s32 $0xFFFFF800  }
0x3d: {  	[spmem:s2] =	stream.indirect.scatter.add.bf16 [tilespmem:s16], [sflag:s13], $0x10, s11, s15, $0xb8;
	[tilespmem:$0x18780] =	vst v63  }
0x3e: {  	s16 =	ssub.s32 s7, s9  }
0x3f: {  	s3 =	sadd.s32 $0x6, s16  }
0x40: {  	p0 =	slt.u32 s7, $0x6;
	s9 =	sand.u32 $0xFF, s3  }
0x41: {  	s3 =	sadd.s32 @!p0 $0xD, s9  }
0x42: {  	_ =	swait.ge @!p0 [sflag:s3], $0x800  }
0x43: {  	p1 =	sgt.u32 @!p0 s7, $0x5D;
	s7 =	sadd.s32 $0x1, s7;
	[sflag:s3] =	ssyncset.done @!p0 $0x0  }
0x44: {  	p1 =	por p0, !p1;
	[sflag:s3] =	ssyncadd.s32 @!p0 $0xFFFFF800;
	p0 =	sne.s32 s7, $0x64  }
.Ltmp0:
0x45: {  	_ = 	snop;
	(pc) =	sbr.rel @p0 .LBB2_3-.Ltmp0, $4  }
0x46: {  	s3 =	sshll.u32 @p1 s9, $0xB  }
0x47: {  	s9 =	sadd.s32 @p1 $0x1, s9;
	s3 =	sadd.s32 @p1 $0x6400, s3  }
0x48: {  	[tilespmem:s3], [sflag:s9] =	stream.indirect.gather @p1 [hbm4b:s4+s15], $0x10, s12, s15, $0xb8;
	[tilespmem:$0x18780] =	vst v63  }
0x49: {  	s11 =	sadd.s32 $0x80, s11;
	s12 =	sadd.s32 $0x80, s12  }
0x4a: {  	_ =	swait.ge [sflag:s26], $0x800  }
0x4b: {  	[sflag:s26] =	ssyncset.done $0x0  }
0x4c: {  	[sflag:s26] =	ssyncadd.s32 $0xFFFFF800  }
0x4d: {  	_ =	swait.ge [sflag:s28], $0x800  }
0x4e: {  	[sflag:s28] =	ssyncset.done $0x0  }
0x4f: {  	[sflag:s28] =	ssyncadd.s32 $0xFFFFF800  }
0x50: {  	_ =	swait.ge [sflag:s29], $0x800  }
0x51: {  	[sflag:s29] =	ssyncset.done $0x0  }
0x52: {  	[sflag:s29] =	ssyncadd.s32 $0xFFFFF800  }
0x53: {  	_ =	swait.ge [sflag:s30], $0x800  }
0x54: {  	[sflag:s30] =	ssyncset.done $0x0  }
0x55: {  	s1 =	sadd.s32 $0x1, s1;
	[sflag:s30] =	ssyncadd.s32 $0xFFFFF800  }
0x56: {  	p0 =	sne.s32 s1, $0x4;
	_ =	swait.ge [sflag:s31], $0x800  }
.Ltmp1:
0x57: {  	[sflag:s31] =	ssyncset.done $0x0;
	(pc) =	sbr.rel @p0 .LBB2_2-.Ltmp1, $4  }
0x58: {  	[sflag:s31] =	ssyncadd.s32 $0xFFFFF800  }
0x59: {  	_ =	swait.ge [sflag:s0], $0x800  }
0x5a: {  	[sflag:s0] =	ssyncset.done $0x0  }
0x5b: {  	[sflag:s0] =	ssyncadd.s32 $0xFFFFF800  }
0x5c: {  	[bflag:$0x0] =	sbarrier.arrive $0xFFFF  }
0x5d: {  	s3 =	rddreg [dreg:$0x5]  }
0x5e: {  	s1 =	rddreg [dreg:$0x6]  }
0x5f: {  	s7 =	rddreg [dreg:$0x8]  }
0x60: {  	[hbm:s1], [sflag:s3] =	dma.local [spmem:s7], $0x1870  }
0x61: {  	_ =	swait.ge [sflag:s14], $0x1870  }
0x62: {  	s11 =	rddreg [dreg:$0x3]  }
0x63: {  	s16 =	rddreg [dreg:$0x7];
	s11 =	sadd.s32 $0x1, s11  }
0x64: {  	p0 =	sne.s32 s11, s16  }
.Ltmp2:
0x65: {  	_ = 	snop;
	(pc) =	sbr.rel @p0 .LBB2_1-.Ltmp2, $3  }
0x66: {  	_ =	sdelay $0x1  }
0x67: {  	[sflag:s14] =	ssyncset.done $0x0  }
0x68: {  	[sflag:s14] =	ssyncadd.s32 $0xFFFFE790  }
0x69: {  	_ =	sfence.sel $0x180000  }
0x6a: {  	[bflag:$0x0] =	sbarrier.arrive $0xFFFF  }
0x6b: {  	_ =	strace $0x9000004A  }
0x6c: {  	s0 =	stileid.u32;
	[bflag:$0x2] =	sbarrier.arrive $0xFFFF  }
0x6d: {  	p0 =	sne.s32 s0, $0x0;
	s0 =	rddreg [dreg:$0x2]  }
0x6e: {  	s0 =	sadd.s32 @!p0 $0x100000, s0  }
0x6f: {  	[sflag:s0] =	ssyncadd.tile.s32 @!p0 $0x1;
	_ =	shalt  }
.Lfunc_end2:
_tile_overlayer_lowered:
.L_overlay_start_2:
0x70: {  	(tag) =	ssettag $0x2  }
0x71: {  	s0 =	rddreg [dreg:$0x0];
	s2 =	stileid.u32  }
0x72: {  	s1 =	rddreg [dreg:$0x1];
	p0 =	sne.s32 s2, $0x0  }
0x73: {  	s3 =	rddreg [dreg:$0x2];
	[bflag:$0x3] =	sbarrier.arrive $0xFFFF;
	s2 =	simm.s32 @!p0 $0x1C19  }
0x74: {  	[timem:s3], [sflag:s2] =	dma.local @!p0 [hbm:s0], s1  }
0x75: {  	s0 =	simm.s32 @!p0 $0x19  }
0x76: {  	_ =	swait.ge @!p0 [sflag:s0], s1  }
0x77: {  	s1 =	ssub.s32 @!p0 $0x0, s1;
	[sflag:s0] =	ssyncset.done @!p0 $0x0  }
0x78: {  	[sflag:s0] =	ssyncadd.s32 @!p0 s1  }
0x79: {  	[bflag:$0x3] =	sbarrier.arrive $0xFFFF  }
0x7a: {  	_ =	shalt  }

// kernel: kernel.5.cloned.1.call-start
scs
__scs_entry_jumppad:
0x0: {  	(pc) =	sbr.rel $0x88, $3  }
0x1: {  	(tag) =	ssettag $0x0;
	lr =	simm.s32 $0x1  }
0x2: {  	[smem:$0x3F96] =	sst lr;
	_ =	strace $0xD0000000  }
0x3: {  	_ = 	snop  }
0x4: {  	_ = 	snop  }
0x5: {  	_ = 	snop  }
0x6: {  	_ = 	snop  }
0x7: {  	_ = 	snop  }
__scs_overlays_trampoline_lowered:
0x8: {  	[smem:$0x3FA5] =	sst s0  }
0x9: {  	[smem:$0x3FA6] =	sst s1  }
0xa: {  	[smem:$0x3FA7] =	sst s2  }
0xb: {  	[smem:$0x3FA8] =	sst s3  }
0xc: {  	[smem:$0x3FA9] =	sst s4  }
0xd: {  	[smem:$0x3FAA] =	sst s5  }
0xe: {  	[smem:$0x3FAB] =	sst s6  }
0xf: {  	[smem:$0x3FAC] =	sst s7  }
0x10: {  	[smem:$0x3FAD] =	sst s8  }
0x11: {  	[smem:$0x3FAE] =	sst s9;
	s0 =	simm.s32 @!p0 $0x0  }
0x12: {  	s1 =	sld [smem:$0x3F94];
	s0 =	simm.s32 @p0 $0x1  }
0x13: {  	[smem:$0x3FAF] =	sst s0;
	s0 =	simm.s32 @!p1 $0x0  }
0x14: {  	s2 =	sld [smem:$0x3F93];
	s0 =	simm.s32 @p1 $0x1  }
0x15: {  	[smem:$0x3FB0] =	sst s0;
	s0 =	simm.s32 @!p2 $0x0  }
0x16: {  	s3 =	sld [smem:$0x3FDB];
	s0 =	simm.s32 @p2 $0x1  }
0x17: {  	s4 =	simm.s32 $0x1BF5;
	[smem:$0x3FB2] =	sst s0  }
0x18: {  	s0 =	sld [smem:$0x3F95];
	_ =	swait.ge [sflag:s4], $0x0  }
0x19: {  	s7 =	sld [smem:$0x3F96]  }
0x1a: {  	s8 =	sadd.s32 $0xFFFFE003, lr  }
0x1b: {  	s9 =	sadd.s32 $0xFFFFFEF7, lr;
	s5 =	simm.s32 $0xFFFFFFFF;
	p2 =	slt.u32 s8, $0xFFFFF086  }
0x1c: {  	p1 =	slt.u32 s9, $0xF7A;
	s5 =	simm.s32 @!p2 $0x0  }
0x1d: {  	s5 =	simm.s32 @p1 $0x1;
	p0 =	seq.s32 s7, s2  }
0x1e: {  	s7 =	smul.u32 @!p0 $0xF7A, s2;
	p2 =	seq.s32 @!p0 s5, $0x0  }
0x1f: {  	s9 =	smul.u32 $0xF7A, s1;
	s8 =	simm.s32 @!p0 $0x1BF5;
	p2 =	por !p2, p0  }
0x20: {  	[sflag:s8] =	ssyncset.s32 @!p0 $0xFFFFF086;
	s6 =	sadd.s32 @!p0 s3, s7;
	s7 =	simm.s32 @!p0 $0x108  }
0x21: {  	s3 =	sadd.s32 s3, s9;
	s6 =	sadd.s32 @!p0 $0x88, s6;
	s7 =	simm.s32 @p2 $0x1082  }
0x22: {  	[simem:s7], [sflag:s8] =	dma.local @!p0 [hbm:s6], $0xF7A  }
0x23: {  	s9 =	sor.u32 $0xD0000000, s2;
	s6 =	simm.s32 $0x108;
	_ =	swait.ge @!p0 [sflag:s8], $0x0  }
0x24: {  	s3 =	sadd.s32 $0x88, s3;
	s6 =	simm.s32 @!p1 $0x1082;
	[sflag:s4] =	ssyncset.s32 $0xFFFFF086  }
0x25: {  	[simem:s6], [sflag:s4] =	dma.local [hbm:s3], $0xF7A  }
0x26: {  	[smem:$0x3F96] =	sst s1;
	(tag) =	ssettag s2;
	_ =	strace s9  }
0x27: {  	s1 =	sld [smem:$0x3FA6]  }
0x28: {  	s2 =	sld [smem:$0x3FA7]  }
0x29: {  	s4 =	sld [smem:$0x3FA9]  }
0x2a: {  	p0 =	seq.s32 s5, $0x0;
	s5 =	sld [smem:$0x3FAA]  }
0x2b: {  	s6 =	sld [smem:$0x3FAB]  }
0x2c: {  	s7 =	sld [smem:$0x3FAC]  }
0x2d: {  	s3 =	simm.s32 $0x108;
	s8 =	sld [smem:$0x3FAD]  }
0x2e: {  	s3 =	simm.s32 @!p0 $0x1082;
	s9 =	sld [smem:$0x3FAE]  }
0x2f: {  	lr =	sadd.s32 s0, s3;
	s0 =	sld [smem:$0x3FA5]  }
0x30: {  	s3 =	sld [smem:$0x3FA8]  }
0x31: {  	[smem:$0x3FB1] =	sst s10  }
0x32: {  	s10 =	sld [smem:$0x3FAF];
	_ =	sdelay $0x3  }
0x33: {  	p0 =	seq.s32 s10, $0x1;
	s10 =	sld [smem:$0x3FB1];
	_ =	sdelay $0x3  }
0x34: {  	[smem:$0x3FB1] =	sst s10  }
0x35: {  	s10 =	sld [smem:$0x3FB0];
	_ =	sdelay $0x3  }
0x36: {  	p1 =	seq.s32 s10, $0x1;
	s10 =	sld [smem:$0x3FB1];
	_ =	sdelay $0x3  }
0x37: {  	[smem:$0x3FB1] =	sst s10  }
0x38: {  	s10 =	sld [smem:$0x3FB2]  }
0x39: {  	_ = 	snop;
	(pc) =	sbr.ind lr, $3  }
0x3a: {  	_ = 	snop  }
0x3b: {  	_ = 	snop  }
0x3c: {  	p2 =	seq.s32 s10, $0x1;
	s10 =	sld [smem:$0x3FB1]  }
0x3d: {  	_ =	shalt  }
0x3e: {  	_ =	shalt  }
0x3f: {  	_ =	shalt  }
0x40: {  	_ =	shalt  }
0x41: {  	_ =	shalt  }
0x42: {  	_ =	shalt  }
0x43: {  	_ =	shalt  }
0x44: {  	_ =	shalt  }
0x45: {  	_ =	shalt  }
0x46: {  	_ =	shalt  }
0x47: {  	_ =	shalt  }
0x48: {  	_ =	shalt  }
0x49: {  	_ =	shalt  }
0x4a: {  	_ =	shalt  }
0x4b: {  	_ =	shalt  }
0x4c: {  	_ =	shalt  }
0x4d: {  	_ =	shalt  }
0x4e: {  	_ =	shalt  }
0x4f: {  	_ =	shalt  }
0x50: {  	_ =	shalt  }
0x51: {  	_ =	shalt  }
0x52: {  	_ =	shalt  }
0x53: {  	_ =	shalt  }
0x54: {  	_ =	shalt  }
0x55: {  	_ =	shalt  }
0x56: {  	_ =	shalt  }
0x57: {  	_ =	shalt  }
0x58: {  	_ =	shalt  }
0x59: {  	_ =	shalt  }
0x5a: {  	_ =	shalt  }
0x5b: {  	_ =	shalt  }
0x5c: {  	_ =	shalt  }
0x5d: {  	_ =	shalt  }
0x5e: {  	_ =	shalt  }
0x5f: {  	_ =	shalt  }
0x60: {  	_ =	shalt  }
0x61: {  	_ =	shalt  }
0x62: {  	_ =	shalt  }
0x63: {  	_ =	shalt  }
0x64: {  	_ =	shalt  }
0x65: {  	_ =	shalt  }
0x66: {  	_ =	shalt  }
0x67: {  	_ =	shalt  }
0x68: {  	_ =	shalt  }
0x69: {  	_ =	shalt  }
0x6a: {  	_ =	shalt  }
0x6b: {  	_ =	shalt  }
0x6c: {  	_ =	shalt  }
0x6d: {  	_ =	shalt  }
0x6e: {  	_ =	shalt  }
0x6f: {  	_ =	shalt  }
0x70: {  	_ =	shalt  }
0x71: {  	_ =	shalt  }
0x72: {  	_ =	shalt  }
0x73: {  	_ =	shalt  }
0x74: {  	_ =	shalt  }
0x75: {  	_ =	shalt  }
0x76: {  	_ =	shalt  }
0x77: {  	_ =	shalt  }
0x78: {  	_ =	shalt  }
0x79: {  	_ =	shalt  }
0x7a: {  	_ =	shalt  }
0x7b: {  	_ =	shalt  }
0x7c: {  	_ =	shalt  }
0x7d: {  	_ =	shalt  }
0x7e: {  	_ =	shalt  }
0x7f: {  	_ =	shalt  }
0x80: {  	_ =	shalt  }
0x81: {  	_ =	shalt  }
0x82: {  	_ =	shalt  }
0x83: {  	_ =	shalt  }
0x84: {  	_ =	shalt  }
0x85: {  	_ =	shalt  }
0x86: {  	_ =	shalt  }
0x87: {  	_ =	shalt  }
.Lfunc_end0:
.L_simem_size_0:
called_computation.1_lowered:
.L_overlay_start_0:
0x88: {  	s2 =	sld [smem:$0x3FD9]  }
0x89: {  	s3 =	sld [smem:$0x3FFE];
	_ =	sdelay $0x1  }
0x8a: {  	s1 =	srdreg.scid  }
0x8b: {  	s0 =	sand.u32 $0x1, s1  }
0x8c: {  	s16 =	sshll.u32 s0, $0xA;
	s2 =	sadd.s32 s3, s2  }
0x8d: {  	s2 =	sadd.s32 s2, s16  }
0x8e: {  	[smem:$0x3FBD] =	sst s2  }
0x8f: {  	_ = 	snop  }
0x90: {  	(tm) =	ssettm $0x1  }
0x91: {  	s17 =	sld [smem:$0x3FFB];
	_ =	sdelay $0x3  }
0x92: {  	_ =	strace s17  }
0x93: {  	s2 =	sld [smem:$0x3FFC];
	_ =	sdelay $0x3  }
0x94: {  	_ =	strace s2  }
0x95: {  	s2 =	sld [smem:$0x3FFD];
	_ =	sdelay $0x3  }
0x96: {  	_ =	strace s2  }
0x97: {  	_ =	strace $0x8FFFFFFF  }
0x98: {  	s18 =	sld [smem:$0x3FDB];
	_ =	sdelay $0x1  }
0x99: {  	s19 =	simm.s32 $_scs_section_size  }
0x9a: {  	s4 =	simm.s32 $_size__tile_overlayer_lowered;
	s5 =	simm.s32 $_tile_overlayer_lowered  }
0x9b: {  	s22 =	simm.s32 $0x1BFF;
	s21 =	sshll.u32 s5, $0x1;
	s2 =	sadd.s32 s19, s18  }
0x9c: {  	s6 =	simm.s32 $0x0;
	s20 =	sshll.u32 s4, $0x1;
	s4 =	sadd.s32 s21, s2  }
0x9d: {  	[timem:s6], [sflag:s22] =	dma.local [hbm:s4], s20  }
0x9e: {  	_ =	swait.ge [sflag:s22], s20  }
0x9f: {  	s3 =	ssub.s32 $0x0, s20;
	[sflag:s22] =	ssyncset.done $0x0  }
0xa0: {  	[sflag:s22] =	ssyncadd.s32 s3;
	_ =	sdelay $0x1  }
0xa1: {  	s23 =	simm.s32 $0x1B8B  }
0xa2: {  	_ =	swait.ge [sflag:s23], $0x1  }
0xa3: {  	[sflag:s23] =	ssyncset.done $0x0  }
0xa4: {  	s25 =	simm.s32 $0x1B8E;
	s24 =	sld [smem:$0x3FFE];
	[sflag:s23] =	ssyncadd.s32 $0xFFFFFFFF  }
0xa5: {  	s26 =	simm.s32 $execute0_lowered;
	[smem:$0x3FD2] =	sst s25  }
0xa6: {  	s4 =	sshll.u32 s26, $0x1;
	_ =	strace $0x80000046;
	[dreg:$0x1] =	wrdreg $0xFFFFFFFF  }
0xa7: {  	s28 =	simm.s32 $_size_execute0_lowered;
	s2 =	sadd.s32 s2, s4;
	[dreg:$0x0] =	wrdreg $0x0  }
0xa8: {  	s4 =	sshll.u32 s28, $0x1;
	[dreg:$0x2] =	wrdreg s2  }
0xa9: {  	[dreg:$0x3] =	wrdreg s4  }
0xaa: {  	[dreg:$0x4] =	wrdreg $0xC0  }
0xab: {  	_ =	task [dreg:s6], $0x5FFFF  }
0xac: {  	[dreg:$0x1] =	wrdreg $0xFFFFFFFF  }
0xad: {  	[dreg:$0x0] =	wrdreg $0x60  }
0xae: {  	[dreg:$0x2] =	wrdreg s24  }
0xaf: {  	[dreg:$0x3] =	wrdreg $0xC8800  }
0xb0: {  	[dreg:$0x4] =	wrdreg $0x9  }
0xb1: {  	_ =	task.clear_ibuf [dreg:s6], $0x5FFFF;
	_ =	strace $0x90000046  }
0xb2: {  	s29 =	simm.s32 $0x9;
	_ =	strace $0x80000048  }
0xb3: {  	_ =	swait.ge [sflag:s29], $0x1  }
0xb4: {  	[sflag:s29] =	ssyncadd.s32 $0xFFFFFFFF  }
0xb5: {  	_ =	strace $0x90000048  }
0xb6: {  	_ =	sfence  }
0xb7: {  	s30 =	sld [smem:$0x0];
	_ =	sdelay $0x2  }
0xb8: {  	s31 =	sshll.u32 s1, $0xD;
	s1 =	sshrl.u32 s1, $0x2  }
0xb9: {  	s3 =	sand.u32 $0x4000, s31;
	s1 =	sadd.s32 s1, s30  }
0xba: {  	s0 =	sor.u32 s3, s0;
	s1 =	sshll.u32 s1, $0x11  }
0xbb: {  	s0 =	sor.u32 s1, s0  }
0xbc: {  	s0 =	sadd.s32 $0x8F2B, s0  }
0xbd: {  	[sflag:s0] =	ssyncadd.remote.s32 $0x1  }
0xbe: {  	_ =	sfence.sel $0xFFFF  }
0xbf: {  	[dreg:$0x0] =	wrdreg $0xFFFFFFFF;
	(pc) =	sbr.abs _section_cstart, $3  }
0xc0: {  	[dreg:$0x1] =	wrdreg $0xFFFFFFFF  }
0xc1: {  	_ =	task.clear_ibuf [dreg:s6], $0x2FFFF;
	_ =	strace $0x9FFFFFFF  }
0xc2: {  	(tm) =	ssettm $0x7FFFFFFF  }
0xc3: {  	_ =	shalt  }
tec
execute0_lowered:
.L_overlay_start_1:
0x0: {  	(tag) =	ssettag $0x1  }
0x1: {  	s6 =	rddreg [dreg:$0x0]  }
0x2: {  	s0 =	srdreg.scid;
	s2 =	rddreg [dreg:$0x1]  }
0x3: {  	s3 =	simm.s32 $0x0;
	s14 =	simm.s32 $0x80;
	s15 =	simm.s32 $0x1  }
0x4: {  	s16 =	simm.s32 $0x0;
	s5 =	sand.u32 $0x1, s0;
	s0 =	stileid.u32  }
0x5: {  	[smem:$0x7FF] =	sst s3;
	s1 =	sshll.u32 s5, $0x4;
	s8 =	smul.u32 $0x1870, s0  }
0x6: {  	s7 =	smul.u32 $0x18700, s5;
	s10 =	ssub.s32 $0x2, s5;
	s5 =	sadd.s32 $0x1CA00, s6  }
0x7: {  	s31 =	sshll.u32 s0, $0x6;
	s1 =	sor.u32 s0, s1;
	s11 =	sshrl.u32 s10, $0x1  }
0x8: {  	s4 =	smul.u32 $0xC80, s1;
	s1 =	rddreg [dreg:$0x2];
	_ =	strace $0x80000047  }
0x9: {  	s7 =	sadd.s32 s8, s7;
	s10 =	ssub.s32 s10, s11;
	s13 =	sadd.s32 s8, s2  }
0xa: {  	s11 =	simm.s32 $0xC800;
	s7 =	sshrl.u32 s7, $0x3;
	s13 =	sshrl.u32 s13, $0x3  }
0xb: {  	s9 =	sadd.s32 s4, s6;
	s4 =	sadd.s32 $0x1CE00, s6;
	s12 =	sadd.s32 s7, s6  }
0xc: {  	s6 =	sadd.s32 $0x4E200, s9;
	s7 =	sadd.s32 $0x35200, s9;
	s8 =	sadd.s32 $0x1D000, s12  }
0xd: {  	s9 =	smax.u32 s10, $0x1;
	s10 =	simm.s32 $0x2;
	s12 =	sor.u32 $0x1C02, s31  }
.LBB2_1:
0xe: {  	[tilespmem:s3], [sflag:$0x2] =	stream.linear.gather [hbm4b:s6+s3], $0x6400, $0x38;
	[tilespmem:$0xE0F0] =	vst v63  }
0xf: {  	_ =	swait.ge [sflag:s10], $0x6400  }
0x10: {  	[sflag:s10] =	ssyncset.done $0x0  }
0x11: {  	s17 =	simm.s32 $0x6400;
	[sflag:s10] =	ssyncadd.s32 $0xFFFF9C00  }
0x12: {  	[tilespmem:s17], [sflag:$0x2] =	stream.linear.gather [hbm4b:s7+s3], $0x6400, $0x38;
	[tilespmem:$0xE0F0] =	vst v63  }
0x13: {  	_ =	swait.ge [sflag:s10], $0x6400  }
0x14: {  	[sflag:s10] =	ssyncset.done $0x0  }
0x15: {  	[sflag:s10] =	ssyncadd.s32 $0xFFFF9C00  }
0x16: {  	[tilespmem:s11], [sflag:$0x2] =	stream.linear.gather [hbm4b:s4+s3], $0x80, $0x38;
	[tilespmem:$0xE0F0] =	vst v63  }
0x17: {  	_ =	swait.ge [sflag:s10], $0x80  }
0x18: {  	[sflag:s10] =	ssyncset.done $0x0  }
0x19: {  	[sflag:s10] =	ssyncadd.s32 $0xFFFFFF80  }
0x1a: {  	[spmem:s13], [sflag:s12] =	dma.local [hbm:s5], $0x30E  }
0x1b: {  	_ =	swait.ge [sflag:s10], $0x30E  }
0x1c: {  	[sflag:s10] =	ssyncset.done $0x0  }
0x1d: {  	[sflag:s10] =	ssyncadd.s32 $0xFFFFFCF2  }
0x1e: {  	p0 =	por $0x1, $0x1;
	[bflag:$0x0] =	sbarrier.arrive $0xFFFF  }
0x1f: {  	[spmem:s2] =	stream.indirect.scatter.add.f32 [tilespmem:s11], [sflag:$0x1], $0x1, s3, s14, $0xb8;
	[tilespmem:$0xE0F0] =	vst v63  }
0x20: {  	s18 =	simm.s32 @!p0 $0x1  }
0x21: {  	[spmem:s2] =	stream.indirect.scatter.add.f32 [tilespmem:s11], [sflag:$0x1], $0x1, s17, s14, $0xb8;
	[tilespmem:$0xE0F0] =	vst v63  }
0x22: {  	_ =	swait.ge @!p0 [sflag:s18], $0x80  }
0x23: {  	[sflag:s18] =	ssyncset.done @!p0 $0x0  }
0x24: {  	s19 =	simm.s32 $0x6480;
	[sflag:s18] =	ssyncadd.s32 @!p0 $0xFFFFFF80  }
0x25: {  	s20 =	simm.s32 $0x0;
	s17 =	simm.s32 $0x1;
	_ =	swait.ge @!p0 [sflag:s18], $0x80  }
.LBB2_2:
0x26: {  	[sflag:s18] =	ssyncset.done @!p0 $0x0  }
0x27: {  	s20 =	sadd.s32 $0x80, s20;
	s21 =	smov.u32 s17;
	s17 =	sadd.s32 $0x1, s17  }
0x28: {  	p1 =	sne.s32 s17, $0xC8;
	[sflag:s18] =	ssyncadd.s32 @!p0 $0xFFFFFF80  }
0x29: {  	[spmem:s2] =	stream.indirect.scatter.add.f32 [tilespmem:s11], [sflag:$0x1], $0x1, s20, s14, $0xb8;
	[tilespmem:$0xE0F0] =	vst v63  }
0x2a: {  	p0 =	slt.u32 s21, $0x8  }
0x2b: {  	[spmem:s2] =	stream.indirect.scatter.add.f32 [tilespmem:s11], [sflag:$0x1], $0x1, s19, s14, $0xb8;
	[tilespmem:$0xE0F0] =	vst v63  }
.Ltmp0:
0x2c: {  	s18 =	simm.s32 @!p0 $0x1;
	(pc) =	sbr.rel @p1 .LBB2_2-.Ltmp0, $4  }
0x2d: {  	_ =	swait.ge @!p0 [sflag:s18], $0x80  }
0x2e: {  	[sflag:s18] =	ssyncset.done @!p0 $0x0  }
0x2f: {  	[sflag:s18] =	ssyncadd.s32 @!p0 $0xFFFFFF80  }
0x30: {  	s19 =	sadd.s32 $0x80, s19;
	_ =	swait.ge @!p0 [sflag:s18], $0x80  }
0x31: {  	[sflag:s18] =	ssyncset.done @!p0 $0x0  }
0x32: {  	[sflag:s18] =	ssyncadd.s32 @!p0 $0xFFFFFF80  }
0x33: {  	_ =	swait.ge [sflag:s15], $0x80  }
0x34: {  	[sflag:s15] =	ssyncset.done $0x0  }
0x35: {  	[sflag:s15] =	ssyncadd.s32 $0xFFFFFF80  }
0x36: {  	_ =	swait.ge [sflag:s15], $0x80  }
0x37: {  	[sflag:s15] =	ssyncset.done $0x0  }
0x38: {  	[sflag:s15] =	ssyncadd.s32 $0xFFFFFF80  }
0x39: {  	_ =	swait.ge [sflag:s15], $0x80  }
0x3a: {  	[sflag:s15] =	ssyncset.done $0x0  }
0x3b: {  	[sflag:s15] =	ssyncadd.s32 $0xFFFFFF80  }
0x3c: {  	_ =	swait.ge [sflag:s15], $0x80  }
0x3d: {  	[sflag:s15] =	ssyncset.done $0x0  }
0x3e: {  	[sflag:s15] =	ssyncadd.s32 $0xFFFFFF80  }
0x3f: {  	_ =	swait.ge [sflag:s15], $0x80  }
0x40: {  	[sflag:s15] =	ssyncset.done $0x0  }
0x41: {  	[sflag:s15] =	ssyncadd.s32 $0xFFFFFF80  }
0x42: {  	_ =	swait.ge [sflag:s15], $0x80  }
0x43: {  	[sflag:s15] =	ssyncset.done $0x0  }
0x44: {  	[sflag:s15] =	ssyncadd.s32 $0xFFFFFF80  }
0x45: {  	_ =	swait.ge [sflag:s15], $0x80  }
0x46: {  	[sflag:s15] =	ssyncset.done $0x0  }
0x47: {  	[sflag:s15] =	ssyncadd.s32 $0xFFFFFF80  }
0x48: {  	_ =	swait.ge [sflag:s15], $0x80  }
0x49: {  	[sflag:s15] =	ssyncset.done $0x0  }
0x4a: {  	[sflag:s15] =	ssyncadd.s32 $0xFFFFFF80  }
0x4b: {  	_ =	swait.ge [sflag:s15], $0x80  }
0x4c: {  	[sflag:s15] =	ssyncset.done $0x0  }
0x4d: {  	[sflag:s15] =	ssyncadd.s32 $0xFFFFFF80  }
0x4e: {  	_ =	swait.ge [sflag:s15], $0x80  }
0x4f: {  	[sflag:s15] =	ssyncset.done $0x0  }
0x50: {  	[sflag:s15] =	ssyncadd.s32 $0xFFFFFF80  }
0x51: {  	_ =	swait.ge [sflag:s15], $0x80  }
0x52: {  	[sflag:s15] =	ssyncset.done $0x0  }
0x53: {  	[sflag:s15] =	ssyncadd.s32 $0xFFFFFF80  }
0x54: {  	_ =	swait.ge [sflag:s15], $0x80  }
0x55: {  	[sflag:s15] =	ssyncset.done $0x0  }
0x56: {  	[sflag:s15] =	ssyncadd.s32 $0xFFFFFF80  }
0x57: {  	_ =	swait.ge [sflag:s15], $0x80  }
0x58: {  	[sflag:s15] =	ssyncset.done $0x0  }
0x59: {  	[sflag:s15] =	ssyncadd.s32 $0xFFFFFF80  }
0x5a: {  	_ =	swait.ge [sflag:s15], $0x80  }
0x5b: {  	[sflag:s15] =	ssyncset.done $0x0  }
0x5c: {  	[sflag:s15] =	ssyncadd.s32 $0xFFFFFF80  }
0x5d: {  	_ =	swait.ge [sflag:s15], $0x80  }
0x5e: {  	[sflag:s15] =	ssyncset.done $0x0  }
0x5f: {  	[sflag:s15] =	ssyncadd.s32 $0xFFFFFF80  }
0x60: {  	_ =	swait.ge [sflag:s15], $0x80  }
0x61: {  	s16 =	sadd.s32 $0x1, s16;
	[sflag:s15] =	ssyncset.done $0x0  }
0x62: {  	p0 =	sne.s32 s16, s9;
	[sflag:s15] =	ssyncadd.s32 $0xFFFFFF80  }
.Ltmp1:
0x63: {  	[bflag:$0x0] =	sbarrier.arrive $0xFFFF;
	(pc) =	sbr.rel @p0 .LBB2_1-.Ltmp1, $4  }
0x64: {  	[hbm:s8], [sflag:s12] =	dma.local [spmem:s13], $0x30E  }
0x65: {  	_ =	swait.ge [sflag:s10], $0x30E  }
0x66: {  	[sflag:s10] =	ssyncset.done $0x0  }
0x67: {  	[sflag:s10] =	ssyncadd.s32 $0xFFFFFCF2  }
0x68: {  	_ =	sfence.sel $0x180000  }
0x69: {  	[bflag:$0x0] =	sbarrier.arrive $0xFFFF  }
0x6a: {  	p0 =	sne.s32 s0, $0x0;
	_ =	strace $0x90000047  }
0x6b: {  	s0 =	sadd.s32 @!p0 $0x100000, s1;
	[bflag:$0x2] =	sbarrier.arrive $0xFFFF  }
0x6c: {  	[sflag:s0] =	ssyncadd.tile.s32 @!p0 $0x1;
	_ =	shalt  }
.Lfunc_end2:
_tile_overlayer_lowered:
.L_overlay_start_2:
0x6d: {  	(tag) =	ssettag $0x2  }
0x6e: {  	s0 =	rddreg [dreg:$0x0];
	s2 =	stileid.u32  }
0x6f: {  	s1 =	rddreg [dreg:$0x1];
	p0 =	sne.s32 s2, $0x0  }
0x70: {  	s3 =	rddreg [dreg:$0x2];
	[bflag:$0x3] =	sbarrier.arrive $0xFFFF;
	s2 =	simm.s32 @!p0 $0x1C02  }
0x71: {  	[timem:s3], [sflag:s2] =	dma.local @!p0 [hbm:s0], s1  }
0x72: {  	s0 =	simm.s32 @!p0 $0x2  }
0x73: {  	_ =	swait.ge @!p0 [sflag:s0], s1  }
0x74: {  	s1 =	ssub.s32 @!p0 $0x0, s1;
	[sflag:s0] =	ssyncset.done @!p0 $0x0  }
0x75: {  	[sflag:s0] =	ssyncadd.s32 @!p0 s1  }
0x76: {  	[bflag:$0x3] =	sbarrier.arrive $0xFFFF  }
0x77: {  	_ =	shalt  }

</sc_bundles>
